<compile_context>
chip_gen: v7x
topology: tpu7x:2x2x1
jax: 0.10.2.dev20260603
libtpu: 0.0.44.dev20260713+nightly
codegen_flags: <defaults>
</compile_context>

<pallas_src>
import functools
import math

import jax
import jax.numpy as jnp
from jax import lax
from jax.experimental import pallas as pl
from jax.experimental.pallas import tpu as pltpu
from jax.experimental.pallas import tpu_sc as plsc

_B, _N, _T, _E = 4, 1024, 12, 128
_H, _Dh, _P = 4, 32, 128
_K, _L = 16, 4
_BN = _B * _N
_ROWS = _BN * _K
_EPS = float(jnp.finfo(jnp.float32).eps)



def _proj_body(h_ref, wq_ref, bq_ref, wk_ref, bk_ref, wv_ref, bv_ref,
               q_ref, kv_ref):
    hlast = h_ref[:, _L - 1, :]
    hmean = (h_ref[:, 0, :] + h_ref[:, 1, :]
             + h_ref[:, 2, :] + h_ref[:, 3, :]) * (1.0 / _L)
    q_ref[...] = (jnp.dot(hlast, wq_ref[...],
                          preferred_element_type=jnp.float32) + bq_ref[...])
    k_f = (jnp.dot(hmean, wk_ref[...],
                   preferred_element_type=jnp.float32) + bk_ref[...])
    v_f = (jnp.dot(hmean, wv_ref[...],
                   preferred_element_type=jnp.float32) + bv_ref[...])
    kb = lax.bitcast_convert_type(
        k_f.astype(jnp.bfloat16).astype(jnp.float32), jnp.uint32)
    vb = lax.bitcast_convert_type(
        v_f.astype(jnp.bfloat16).astype(jnp.float32), jnp.uint32)
    kv_ref[...] = kb | (vb >> 16)


def _proj(hid_r, Wq, bq, Wk, bk, Wv, bv, interpret=False):
    blk = 512
    grid = _BN // blk
    w_spec = pl.BlockSpec((_E, _P), lambda i: (0, 0))
    b_spec = pl.BlockSpec((1, _P), lambda i: (0, 0))
    return pl.pallas_call(
        _proj_body,
        grid=(grid,),
        in_specs=[
            pl.BlockSpec((blk, _L, _E), lambda i: (i, 0, 0)),
            w_spec, b_spec, w_spec, b_spec, w_spec, b_spec,
        ],
        out_specs=[
            pl.BlockSpec((blk, _P), lambda i: (i, 0)),
            pl.BlockSpec((blk, _P), lambda i: (i, 0)),
        ],
        out_shape=[
            jax.ShapeDtypeStruct((_BN, _P), jnp.float32),
            jax.ShapeDtypeStruct((_BN, _P), jnp.uint32),
        ],
        interpret=interpret,
    )(hid_r, Wq, bq, Wk, bk, Wv, bv)




def _knn_body(s, xy_ref, xyt_ref, tau_ref, logw_ref, idx_ref, work_ref):
    blk = logw_ref.shape[0]
    pid = s
    xb = xy_ref[:, 0:1]
    yb = xy_ref[:, 1:2]
    xr = xyt_ref[0:1, :]
    yr = xyt_ref[1:2, :]
    x2b = xb * xb + yb * yb
    x2r = xr * xr + yr * yr
    xbb = xb.astype(jnp.bfloat16).astype(jnp.float32)
    ybb = yb.astype(jnp.bfloat16).astype(jnp.float32)
    xrb = xr.astype(jnp.bfloat16).astype(jnp.float32)
    yrb = yr.astype(jnp.bfloat16).astype(jnp.float32)
    g = xbb * xrb + ybb * yrb
    d2 = jnp.clip((x2b + x2r) - 2.0 * g, 0.0, None)
    colid = lax.broadcasted_iota(jnp.int32, (blk, _N), 1)
    rowid = lax.broadcasted_iota(jnp.int32, (blk, _N), 0) + pid * blk
    work_ref[...] = jnp.where(rowid == colid, jnp.inf, d2)

    lane16 = lax.broadcasted_iota(jnp.int32, (blk, _K), 1)

    def step(t, carry):
        kd, ki = carry
        w = work_ref[...]
        m = jnp.min(w, axis=1, keepdims=True)
        sel = jnp.where(w == m, colid, _N)
        idx = jnp.min(sel, axis=1, keepdims=True)
        kd = jnp.where(lane16 == t, m, kd)
        ki = jnp.where(lane16 == t, idx, ki)
        work_ref[...] = jnp.where(colid == idx, jnp.inf, w)
        return kd, ki

    kd0 = jnp.zeros((blk, _K), jnp.float32)
    ki0 = jnp.zeros((blk, _K), jnp.int32)
    kd, ki = lax.fori_loop(0, _K, step, (kd0, ki0))
    kd = jnp.sqrt(kd + 1e-09)

    local_scale = jnp.maximum(jnp.sum(kd, axis=1, keepdims=True) * (1.0 / _K),
                              _EPS)
    tau_safe = jnp.maximum(tau_ref[0, 0], 0.0001)
    logw_ref[...] = jnp.clip(-(kd / local_scale) / tau_safe, -10.0, 0.0)
    for b in range(_B):
        idx_ref[b] = ki + b * _N


_NSPLIT = 2


def _knn(xy, xy_t, tau_b, s, interpret=False):
    blk = _N // _NSPLIT
    return pl.pallas_call(
        functools.partial(_knn_body, s),
        grid=(1,),
        in_specs=[
            pl.BlockSpec((blk, 2), lambda i: (s, 0)),
            pl.BlockSpec((2, _N), lambda i: (0, 0)),
            pl.BlockSpec((1, 128), lambda i: (0, 0)),
        ],
        out_specs=[
            pl.BlockSpec((blk, _K), lambda i: (0, 0)),
            pl.BlockSpec((_B, blk, _K), lambda i: (0, 0, 0)),
        ],
        out_shape=[
            jax.ShapeDtypeStruct((blk, _K), jnp.float32),
            jax.ShapeDtypeStruct((_B, blk, _K), jnp.int32),
        ],
        scratch_shapes=[pltpu.VMEM((blk, _N), jnp.float32)],
        interpret=interpret,
    )(xy, xy_t, tau_b)




def _sc_gather(table, idx2):
    n_workers = 32
    rows = idx2.shape[0] * 128
    per_w = rows // n_workers
    ch = 128
    n_ch = per_w // ch

    mesh = plsc.VectorSubcoreMesh(core_axis_name="c", subcore_axis_name="s")

    @functools.partial(
        pl.kernel,
        mesh=mesh,
        out_type=jax.ShapeDtypeStruct((rows, _P), jnp.uint32),
        scratch_types=[
            pltpu.VMEM((n_ch, ch), jnp.int32),
            pltpu.VMEM((ch, _P), jnp.uint32),
            pltpu.VMEM((ch, _P), jnp.uint32),
            pltpu.VMEM((ch, _P), jnp.uint32),
            pltpu.SemaphoreType.DMA,
            pltpu.SemaphoreType.DMA,
            pltpu.SemaphoreType.DMA,
            pltpu.SemaphoreType.DMA,
            pltpu.SemaphoreType.DMA,
            pltpu.SemaphoreType.DMA,
        ],
    )
    def gk(table_hbm, idx_hbm, out_hbm, idx_v,
           buf0, buf1, buf2, gs0, gs1, gs2, ws0, ws1, ws2):
        wid = lax.axis_index("s") * 2 + lax.axis_index("c")
        base = wid * per_w
        pltpu.sync_copy(idx_hbm.at[pl.ds(wid * n_ch, n_ch)], idx_v)
        bufs = (buf0, buf1, buf2)
        gsems = (gs0, gs1, gs2)
        wsems = (ws0, ws1, ws2)

        def start(c):
            return pltpu.async_copy(
                table_hbm.at[idx_v.at[c]], bufs[c % 3], gsems[c % 3])

        gcp = [None, None, None]
        wcp = [None, None, None]
        gcp[0] = start(0)
        if n_ch > 1:
            gcp[1] = start(1)
        for c in range(n_ch):
            gcp[c % 3].wait()
            if c + 2 < n_ch:
                if wcp[(c + 2) % 3] is not None:
                    wcp[(c + 2) % 3].wait()
                gcp[(c + 2) % 3] = start(c + 2)
            wcp[c % 3] = pltpu.async_copy(
                bufs[c % 3], out_hbm.at[pl.ds(base + c * ch, ch)],
                wsems[c % 3])
        for c in range(max(0, n_ch - 3), n_ch):
            wcp[c % 3].wait()

    return gk(table, idx2)




def _attn_body(q_ref, kvg_ref, logw_ref, wo_ref, bo_ref, out_ref):
    blk = q_ref.shape[0]
    q = q_ref[...]
    kvm = kvg_ref[...]
    kvk = lax.bitcast_convert_type(kvm & jnp.uint32(0xFFFF0000), jnp.float32)
    kvv = lax.bitcast_convert_type(kvm << 16, jnp.float32)
    scale = 1.0 / math.sqrt(_Dh)
    s_r = lax.broadcasted_iota(jnp.int32, (_P, _H), 0) // _Dh
    s_c = lax.broadcasted_iota(jnp.int32, (_P, _H), 1)
    S = (s_r == s_c).astype(jnp.bfloat16)
    t_r = lax.broadcasted_iota(jnp.int32, (_H, _P), 0)
    t_c = lax.broadcasted_iota(jnp.int32, (_H, _P), 1) // _Dh
    St = (t_r == t_c).astype(jnp.bfloat16)

    def _dot1(x, s):
        return jnp.dot(x.astype(jnp.bfloat16), s,
                       preferred_element_type=jnp.float32)

    qm = jnp.reshape(jnp.broadcast_to(q[:, None, :], (blk, _K, _P)),
                     (blk * _K, _P))
    prod = qm * kvk
    logits_m = _dot1(prod, S)
    lg = (jnp.reshape(logits_m, (blk, _K, _H)) * scale
          + logw_ref[...][:, :, None])
    mx = jnp.max(lg, axis=1, keepdims=True)
    e = jnp.exp(lg - mx)
    a = e / jnp.sum(e, axis=1, keepdims=True)
    aw = _dot1(jnp.reshape(a, (blk * _K, _H)), St)
    ctx = jnp.sum(jnp.reshape(aw * kvv, (blk, _K, _P)), axis=1)
    out_ref[...] = (jnp.dot(ctx, wo_ref[...],
                            preferred_element_type=jnp.float32) + bo_ref[...])


def _attn(q, kvg, logw, woP, bo, s, interpret=False):
    blk = _N // _NSPLIT
    per_batch = _N // blk
    return pl.pallas_call(
        _attn_body,
        grid=(_B,),
        in_specs=[
            pl.BlockSpec((blk, _P), lambda i: (i * per_batch + s, 0)),
            pl.BlockSpec((blk * _K, _P), lambda i: (i, 0)),
            pl.BlockSpec((blk, _K), lambda i: (0, 0)),
            pl.BlockSpec((_P, _E), lambda i: (0, 0)),
            pl.BlockSpec((1, _E), lambda i: (0, 0)),
        ],
        out_specs=pl.BlockSpec((blk, _E), lambda i: (i, 0)),
        out_shape=jax.ShapeDtypeStruct((_B * blk, _E), jnp.float32),
        interpret=interpret,
    )(q, kvg, logw, woP, bo)




def kernel(hidden, positions_xy, Wq, bq, Wk, bk, Wv, bv, Wo, bo, tau):
    hid_r = hidden.reshape(_BN, _T, _E)[:, _T - _L:, :]
    q, kv = _proj(hid_r, Wq, bq.reshape(1, _P), Wk, bk.reshape(1, _P),
                  Wv, bv.reshape(1, _P))
    xy_t = positions_xy.T
    tau_b = jnp.broadcast_to(jnp.reshape(tau, (1, 1)), (1, 128))
    woP = Wo.reshape(_Dh, _H, _E).transpose(1, 0, 2).reshape(_P, _E)
    parts = []
    for s in range(_NSPLIT):
        logw_s, idxf_s = _knn(positions_xy, xy_t, tau_b, s)
        idx2_s = idxf_s.reshape(_ROWS // _NSPLIT // 128, 128)
        kvg_s = _sc_gather(kv, idx2_s)
        out_s = _attn(q, kvg_s, logw_s, woP, bo.reshape(1, _E), s)
        parts.append(out_s.reshape(_B, _N // _NSPLIT, _E))
    return jnp.concatenate(parts, axis=1)

# --- scband reference (transcript-rebuilt; emitter-appended) ---
"""Pipeline reference for scband-stattention-pooling-34230889349559 (READ-ONLY COPY).

The authoritative reference and input builder live on the scoring server;
editing this copy changes nothing except your own understanding.
"""

import jax, jax.numpy as jnp
import numpy as np
import math

B, N, T, E = 4, 1024, 12, 128
H = 4
Dh = E // H
P = H * Dh
KNN = 16
LWIN = 4
TAU_INIT = 1.0
BIAS_SCALE = 1.0


def setup_inputs(seed: int = 0) -> dict:
    key = jax.random.key(seed)
    ks = jax.random.split(key, 11)
    s_in = 1.0 / math.sqrt(E)
    s_out = 1.0 / math.sqrt(P)
    inp = {
        "hidden": jax.random.normal(ks[0], (B, N, T, E), dtype=jnp.float32),
        "positions_xy": jax.random.normal(ks[1], (N, 2), dtype=jnp.float32) * 10.0,
        "Wq": jax.random.uniform(ks[2], (E, P), jnp.float32, -s_in, s_in),
        "bq": jax.random.uniform(ks[3], (P,), jnp.float32, -s_in, s_in),
        "Wk": jax.random.uniform(ks[4], (E, P), jnp.float32, -s_in, s_in),
        "bk": jax.random.uniform(ks[5], (P,), jnp.float32, -s_in, s_in),
        "Wv": jax.random.uniform(ks[6], (E, P), jnp.float32, -s_in, s_in),
        "bv": jax.random.uniform(ks[7], (P,), jnp.float32, -s_in, s_in),
        "Wo": jax.random.uniform(ks[8], (P, E), jnp.float32, -s_out, s_out),
        "bo": jax.random.uniform(ks[9], (E,), jnp.float32, -s_out, s_out),
        "tau": jnp.array(TAU_INIT, dtype=jnp.float32),
    }
    return inp


def reference(hidden, positions_xy, Wq, bq, Wk, bk, Wv, bv, Wo, bo, tau):
    # kNN graph construction is under torch.no_grad -> stop_gradient here
    xy = jax.lax.stop_gradient(positions_xy)
    x2 = jnp.sum(xy ** 2, axis=1, keepdims=True)
    d2 = jnp.clip(x2 + x2.T - 2.0 * (xy @ xy.T), 0.0, None)
    D = jnp.sqrt(d2 + 1e-09)
    D = jnp.where(jnp.eye(N, dtype=bool), jnp.inf, D)
    k = min(KNN, max(1, N - 1))
    neg_d, knn_idx = jax.lax.top_k(-D, k)  # smallest-k distances
    knn_dists = -neg_d  # [N, k]

    h_last = hidden[:, :, -1, :]  # [B, N, E]
    L = min(LWIN, T)
    neigh_seq = hidden[:, :, -L:, :]  # [B, N, L, E]
    neigh_repr = jnp.take(neigh_seq, knn_idx, axis=1)  # [B, N, k, L, E] gather
    neigh_repr = neigh_repr.mean(axis=3)  # [B, N, k, E]

    eps = jnp.finfo(jnp.float32).eps
    local_scale = jnp.maximum(knn_dists.mean(axis=1, keepdims=True), eps)
    d_hat = knn_dists / local_scale
    tau_safe = jnp.maximum(tau, 0.0001)
    log_w = jnp.clip(BIAS_SCALE * (-d_hat / tau_safe), -10.0, 0.0)  # [N, k]

    Q = h_last @ Wq + bq  # [B, N, P]
    Kt = neigh_repr @ Wk + bk  # [B, N, k, P]
    Vt = neigh_repr @ Wv + bv  # [B, N, k, P]

    Q4 = Q.reshape(B, N, H, Dh)
    K5 = Kt.reshape(B, N, k, H, Dh).transpose(0, 1, 3, 2, 4)  # [B,N,H,k,Dh]
    V5 = Vt.reshape(B, N, k, H, Dh).transpose(0, 1, 3, 2, 4)

    logits = jnp.einsum('bnhd,bnhkd->bnhk', Q4, K5) / math.sqrt(Dh)
    logits = logits + log_w[None, :, None, :]
    attn = jax.nn.softmax(logits, axis=-1)  # dropout p=0.0 -> identity
    ctx = jnp.einsum('bnhk,bnhkd->bnhd', attn, V5)  # [B,N,H,Dh]
    # torch: transpose(2,3).view -> flatten in [Dh, H] order
    context = ctx.transpose(0, 1, 3, 2).reshape(B, N, Dh * H)
    return context @ Wo + bo  # [B, N, E]

if __name__ == "__main__":
    import jax
    _d = setup_inputs()
    print(jax.jit(kernel)(*tuple(_d.values())))

</pallas_src>

<mosaic_0001>
#map = affine_map<(d0, d1) -> (0, 0)>
module attributes {stable_mosaic.version = 14 : i64} {
  func.func @gk(%arg0: i32, %arg1: i32, %arg2: memref<4096x128xi32, #tpu.memory_space<hbm>>, %arg3: memref<256x128xi32, #tpu.memory_space<hbm>>, %arg4: memref<32768x128xi32, #tpu.memory_space<hbm>>, %arg5: memref<8x128xi32, #tpu.memory_space<vmem>>, %arg6: memref<128x128xi32, #tpu.memory_space<vmem>>, %arg7: memref<128x128xi32, #tpu.memory_space<vmem>>, %arg8: memref<128x128xi32, #tpu.memory_space<vmem>>, %arg9: memref<!tpu.dma_semaphore, #tpu.memory_space<semaphore_mem>>, %arg10: memref<!tpu.dma_semaphore, #tpu.memory_space<semaphore_mem>>, %arg11: memref<!tpu.dma_semaphore, #tpu.memory_space<semaphore_mem>>, %arg12: memref<!tpu.dma_semaphore, #tpu.memory_space<semaphore_mem>>, %arg13: memref<!tpu.dma_semaphore, #tpu.memory_space<semaphore_mem>>, %arg14: memref<!tpu.dma_semaphore, #tpu.memory_space<semaphore_mem>>) attributes {dimension_semantics = [#tpu.dimension_semantics<core_parallel>, #tpu.dimension_semantics<subcore_parallel>], iteration_bounds = array<i64: 2, 16>, scalar_prefetch = 0 : i64, scratch_operands = 10 : i64, tpu.core_type = #tpu.core_type<sc_vector_subcore>, window_params = [{transform_indices = #map}, {transform_indices = #map}, {transform_indices = #map}]} {
    %mul3A = arith.constant 2 : i32
    %mul3A_0 = arith.muli %arg1, %mul3A : i32
    %add3A = arith.addi %mul3A_0, %arg0 : i32
    %mul3A_1 = arith.constant 1024 : i32
    %mul3A_2 = arith.muli %add3A, %mul3A_1 : i32
    %mul3A_3 = arith.constant 8 : i32
    %mul3A_4 = arith.muli %add3A, %mul3A_3 : i32
    "tpu.region"() ({
      %run_scoped3A = tpu.sem_alloc : memref<!tpu.dma_semaphore, #tpu.memory_space<semaphore_mem>>
      %dma_start3A_195 = arith.constant 0 : i32
      %dma_start3A_196 = tpu.memref_slice %arg3[%mul3A_4, %dma_start3A_195] : memref<256x128xi32, #tpu.memory_space<hbm>> -> memref<8x128xi32, #tpu.memory_space<hbm>>
      %dma_start3A_197 = arith.constant 0 : i32
      %dma_start3A_198 = tpu.memref_slice %arg3[%mul3A_4, %dma_start3A_197] : memref<256x128xi32, #tpu.memory_space<hbm>> -> memref<8x128xi32, #tpu.memory_space<hbm>>
      tpu.enqueue_dma source(%dma_start3A_198 : memref<8x128xi32, #tpu.memory_space<hbm>>) target(%arg5 : memref<8x128xi32, #tpu.memory_space<vmem>>) target_semaphore(%run_scoped3A : memref<!tpu.dma_semaphore, #tpu.memory_space<semaphore_mem>>)
      %dma_wait3A_199 = arith.constant 0 : i32
      %dma_wait3A_200 = tpu.memref_slice %arg3[%mul3A_4, %dma_wait3A_199] : memref<256x128xi32, #tpu.memory_space<hbm>> -> memref<8x128xi32, #tpu.memory_space<hbm>>
      %dma_wait3A_201 = arith.constant 0 : i32
      %dma_wait3A_202 = tpu.memref_slice %arg3[%mul3A_4, %dma_wait3A_201] : memref<256x128xi32, #tpu.memory_space<hbm>> -> memref<8x128xi32, #tpu.memory_space<hbm>>
      tpu.wait_dma2 semaphore(%run_scoped3A : memref<!tpu.dma_semaphore, #tpu.memory_space<semaphore_mem>>) src(%dma_wait3A_202 : memref<8x128xi32, #tpu.memory_space<hbm>>) dst(%arg5 : memref<8x128xi32, #tpu.memory_space<vmem>>)
      tpu.yield
    }) : () -> ()
    %dma_start3A = arith.constant 0 : i32
    %dma_start3A_5 = arith.constant 0 : i32
    %dma_start3A_6 = tpu.memref_slice %arg5[%dma_start3A, %dma_start3A_5] : memref<8x128xi32, #tpu.memory_space<vmem>> -> memref<1x128xi32, #tpu.memory_space<vmem>>
    %dma_start3A_7 = tpu.memref_squeeze %dma_start3A_6 : memref<1x128xi32, #tpu.memory_space<vmem>> -> memref<128xi32, #tpu.memory_space<vmem>>
    %dma_start3A_8 = arith.constant 0 : i32
    %dma_start3A_9 = arith.constant 0 : i32
    %dma_start3A_10 = tpu.memref_slice %arg2[%dma_start3A_8, %dma_start3A_9] : memref<4096x128xi32, #tpu.memory_space<hbm>> -> memref<4096x128xi32, #tpu.memory_space<hbm>>
    tpu.enqueue_indirect_dma source(%dma_start3A_10 : memref<4096x128xi32, #tpu.memory_space<hbm>>) target(%arg6 : memref<128x128xi32, #tpu.memory_space<vmem>>) offsets(%dma_start3A_7 : memref<128xi32, #tpu.memory_space<vmem>>) semaphore(%arg9 : memref<!tpu.dma_semaphore, #tpu.memory_space<semaphore_mem>>)
    %dma_start3A_11 = arith.constant 1 : i32
    %dma_start3A_12 = arith.constant 0 : i32
    %dma_start3A_13 = tpu.memref_slice %arg5[%dma_start3A_11, %dma_start3A_12] : memref<8x128xi32, #tpu.memory_space<vmem>> -> memref<1x128xi32, #tpu.memory_space<vmem>>
    %dma_start3A_14 = tpu.memref_squeeze %dma_start3A_13 : memref<1x128xi32, #tpu.memory_space<vmem>> -> memref<128xi32, #tpu.memory_space<vmem>>
    %dma_start3A_15 = arith.constant 0 : i32
    %dma_start3A_16 = arith.constant 0 : i32
    %dma_start3A_17 = tpu.memref_slice %arg2[%dma_start3A_15, %dma_start3A_16] : memref<4096x128xi32, #tpu.memory_space<hbm>> -> memref<4096x128xi32, #tpu.memory_space<hbm>>
    tpu.enqueue_indirect_dma source(%dma_start3A_17 : memref<4096x128xi32, #tpu.memory_space<hbm>>) target(%arg7 : memref<128x128xi32, #tpu.memory_space<vmem>>) offsets(%dma_start3A_14 : memref<128xi32, #tpu.memory_space<vmem>>) semaphore(%arg10 : memref<!tpu.dma_semaphore, #tpu.memory_space<semaphore_mem>>)
    %dma_wait3A = arith.constant 0 : i32
    %dma_wait3A_18 = arith.constant 0 : i32
    %dma_wait3A_19 = tpu.memref_slice %arg5[%dma_wait3A, %dma_wait3A_18] : memref<8x128xi32, #tpu.memory_space<vmem>> -> memref<1x128xi32, #tpu.memory_space<vmem>>
    %dma_wait3A_20 = tpu.memref_squeeze %dma_wait3A_19 : memref<1x128xi32, #tpu.memory_space<vmem>> -> memref<128xi32, #tpu.memory_space<vmem>>
    %dma_wait3A_21 = arith.constant 0 : i32
    %dma_wait3A_22 = arith.constant 0 : i32
    %dma_wait3A_23 = tpu.memref_slice %arg2[%dma_wait3A_21, %dma_wait3A_22] : memref<4096x128xi32, #tpu.memory_space<hbm>> -> memref<4096x128xi32, #tpu.memory_space<hbm>>
    tpu.wait_indirect_dma semaphore(%arg9 : memref<!tpu.dma_semaphore, #tpu.memory_space<semaphore_mem>>) src(%dma_wait3A_23 : memref<4096x128xi32, #tpu.memory_space<hbm>>) dst(%arg6 : memref<128x128xi32, #tpu.memory_space<vmem>>)
    %dma_start3A_24 = arith.constant 2 : i32
    %dma_start3A_25 = arith.constant 0 : i32
    %dma_start3A_26 = tpu.memref_slice %arg5[%dma_start3A_24, %dma_start3A_25] : memref<8x128xi32, #tpu.memory_space<vmem>> -> memref<1x128xi32, #tpu.memory_space<vmem>>
    %dma_start3A_27 = tpu.memref_squeeze %dma_start3A_26 : memref<1x128xi32, #tpu.memory_space<vmem>> -> memref<128xi32, #tpu.memory_space<vmem>>
    %dma_start3A_28 = arith.constant 0 : i32
    %dma_start3A_29 = arith.constant 0 : i32
    %dma_start3A_30 = tpu.memref_slice %arg2[%dma_start3A_28, %dma_start3A_29] : memref<4096x128xi32, #tpu.memory_space<hbm>> -> memref<4096x128xi32, #tpu.memory_space<hbm>>
    tpu.enqueue_indirect_dma source(%dma_start3A_30 : memref<4096x128xi32, #tpu.memory_space<hbm>>) target(%arg8 : memref<128x128xi32, #tpu.memory_space<vmem>>) offsets(%dma_start3A_27 : memref<128xi32, #tpu.memory_space<vmem>>) semaphore(%arg11 : memref<!tpu.dma_semaphore, #tpu.memory_space<semaphore_mem>>)
    %add3A_31 = arith.constant 0 : i32
    %add3A_32 = arith.addi %mul3A_2, %add3A_31 : i32
    %dma_start3A_33 = arith.constant 0 : i32
    %dma_start3A_34 = tpu.memref_slice %arg4[%add3A_32, %dma_start3A_33] : memref<32768x128xi32, #tpu.memory_space<hbm>> -> memref<128x128xi32, #tpu.memory_space<hbm>>
    %dma_start3A_35 = arith.constant 0 : i32
    %dma_start3A_36 = tpu.memref_slice %arg4[%add3A_32, %dma_start3A_35] : memref<32768x128xi32, #tpu.memory_space<hbm>> -> memref<128x128xi32, #tpu.memory_space<hbm>>
    tpu.enqueue_dma source(%arg6 : memref<128x128xi32, #tpu.memory_space<vmem>>) target(%dma_start3A_36 : memref<128x128xi32, #tpu.memory_space<hbm>>) target_semaphore(%arg12 : memref<!tpu.dma_semaphore, #tpu.memory_space<semaphore_mem>>)
    %dma_wait3A_37 = arith.constant 1 : i32
    %dma_wait3A_38 = arith.constant 0 : i32
    %dma_wait3A_39 = tpu.memref_slice %arg5[%dma_wait3A_37, %dma_wait3A_38] : memref<8x128xi32, #tpu.memory_space<vmem>> -> memref<1x128xi32, #tpu.memory_space<vmem>>
    %dma_wait3A_40 = tpu.memref_squeeze %dma_wait3A_39 : memref<1x128xi32, #tpu.memory_space<vmem>> -> memref<128xi32, #tpu.memory_space<vmem>>
    %dma_wait3A_41 = arith.constant 0 : i32
    %dma_wait3A_42 = arith.constant 0 : i32
    %dma_wait3A_43 = tpu.memref_slice %arg2[%dma_wait3A_41, %dma_wait3A_42] : memref<4096x128xi32, #tpu.memory_space<hbm>> -> memref<4096x128xi32, #tpu.memory_space<hbm>>
    tpu.wait_indirect_dma semaphore(%arg10 : memref<!tpu.dma_semaphore, #tpu.memory_space<semaphore_mem>>) src(%dma_wait3A_43 : memref<4096x128xi32, #tpu.memory_space<hbm>>) dst(%arg7 : memref<128x128xi32, #tpu.memory_space<vmem>>)
    %dma_wait3A_44 = arith.constant 0 : i32
    %dma_wait3A_45 = tpu.memref_slice %arg4[%add3A_32, %dma_wait3A_44] : memref<32768x128xi32, #tpu.memory_space<hbm>> -> memref<128x128xi32, #tpu.memory_space<hbm>>
    %dma_wait3A_46 = arith.constant 0 : i32
    %dma_wait3A_47 = tpu.memref_slice %arg4[%add3A_32, %dma_wait3A_46] : memref<32768x128xi32, #tpu.memory_space<hbm>> -> memref<128x128xi32, #tpu.memory_space<hbm>>
    tpu.wait_dma2 semaphore(%arg12 : memref<!tpu.dma_semaphore, #tpu.memory_space<semaphore_mem>>) src(%arg6 : memref<128x128xi32, #tpu.memory_space<vmem>>) dst(%dma_wait3A_47 : memref<128x128xi32, #tpu.memory_space<hbm>>)
    %dma_start3A_48 = arith.constant 3 : i32
    %dma_start3A_49 = arith.constant 0 : i32
    %dma_start3A_50 = tpu.memref_slice %arg5[%dma_start3A_48, %dma_start3A_49] : memref<8x128xi32, #tpu.memory_space<vmem>> -> memref<1x128xi32, #tpu.memory_space<vmem>>
    %dma_start3A_51 = tpu.memref_squeeze %dma_start3A_50 : memref<1x128xi32, #tpu.memory_space<vmem>> -> memref<128xi32, #tpu.memory_space<vmem>>
    %dma_start3A_52 = arith.constant 0 : i32
    %dma_start3A_53 = arith.constant 0 : i32
    %dma_start3A_54 = tpu.memref_slice %arg2[%dma_start3A_52, %dma_start3A_53] : memref<4096x128xi32, #tpu.memory_space<hbm>> -> memref<4096x128xi32, #tpu.memory_space<hbm>>
    tpu.enqueue_indirect_dma source(%dma_start3A_54 : memref<4096x128xi32, #tpu.memory_space<hbm>>) target(%arg6 : memref<128x128xi32, #tpu.memory_space<vmem>>) offsets(%dma_start3A_51 : memref<128xi32, #tpu.memory_space<vmem>>) semaphore(%arg9 : memref<!tpu.dma_semaphore, #tpu.memory_space<semaphore_mem>>)
    %add3A_55 = arith.constant 128 : i32
    %add3A_56 = arith.addi %mul3A_2, %add3A_55 : i32
    %dma_start3A_57 = arith.constant 0 : i32
    %dma_start3A_58 = tpu.memref_slice %arg4[%add3A_56, %dma_start3A_57] : memref<32768x128xi32, #tpu.memory_space<hbm>> -> memref<128x128xi32, #tpu.memory_space<hbm>>
    %dma_start3A_59 = arith.constant 0 : i32
    %dma_start3A_60 = tpu.memref_slice %arg4[%add3A_56, %dma_start3A_59] : memref<32768x128xi32, #tpu.memory_space<hbm>> -> memref<128x128xi32, #tpu.memory_space<hbm>>
    tpu.enqueue_dma source(%arg7 : memref<128x128xi32, #tpu.memory_space<vmem>>) target(%dma_start3A_60 : memref<128x128xi32, #tpu.memory_space<hbm>>) target_semaphore(%arg13 : memref<!tpu.dma_semaphore, #tpu.memory_space<semaphore_mem>>)
    %dma_wait3A_61 = arith.constant 2 : i32
    %dma_wait3A_62 = arith.constant 0 : i32
    %dma_wait3A_63 = tpu.memref_slice %arg5[%dma_wait3A_61, %dma_wait3A_62] : memref<8x128xi32, #tpu.memory_space<vmem>> -> memref<1x128xi32, #tpu.memory_space<vmem>>
    %dma_wait3A_64 = tpu.memref_squeeze %dma_wait3A_63 : memref<1x128xi32, #tpu.memory_space<vmem>> -> memref<128xi32, #tpu.memory_space<vmem>>
    %dma_wait3A_65 = arith.constant 0 : i32
    %dma_wait3A_66 = arith.constant 0 : i32
    %dma_wait3A_67 = tpu.memref_slice %arg2[%dma_wait3A_65, %dma_wait3A_66] : memref<4096x128xi32, #tpu.memory_space<hbm>> -> memref<4096x128xi32, #tpu.memory_space<hbm>>
    tpu.wait_indirect_dma semaphore(%arg11 : memref<!tpu.dma_semaphore, #tpu.memory_space<semaphore_mem>>) src(%dma_wait3A_67 : memref<4096x128xi32, #tpu.memory_space<hbm>>) dst(%arg8 : memref<128x128xi32, #tpu.memory_space<vmem>>)
    %dma_wait3A_68 = arith.constant 0 : i32
    %dma_wait3A_69 = tpu.memref_slice %arg4[%add3A_56, %dma_wait3A_68] : memref<32768x128xi32, #tpu.memory_space<hbm>> -> memref<128x128xi32, #tpu.memory_space<hbm>>
    %dma_wait3A_70 = arith.constant 0 : i32
    %dma_wait3A_71 = tpu.memref_slice %arg4[%add3A_56, %dma_wait3A_70] : memref<32768x128xi32, #tpu.memory_space<hbm>> -> memref<128x128xi32, #tpu.memory_space<hbm>>
    tpu.wait_dma2 semaphore(%arg13 : memref<!tpu.dma_semaphore, #tpu.memory_space<semaphore_mem>>) src(%arg7 : memref<128x128xi32, #tpu.memory_space<vmem>>) dst(%dma_wait3A_71 : memref<128x128xi32, #tpu.memory_space<hbm>>)
    %dma_start3A_72 = arith.constant 4 : i32
    %dma_start3A_73 = arith.constant 0 : i32
    %dma_start3A_74 = tpu.memref_slice %arg5[%dma_start3A_72, %dma_start3A_73] : memref<8x128xi32, #tpu.memory_space<vmem>> -> memref<1x128xi32, #tpu.memory_space<vmem>>
    %dma_start3A_75 = tpu.memref_squeeze %dma_start3A_74 : memref<1x128xi32, #tpu.memory_space<vmem>> -> memref<128xi32, #tpu.memory_space<vmem>>
    %dma_start3A_76 = arith.constant 0 : i32
    %dma_start3A_77 = arith.constant 0 : i32
    %dma_start3A_78 = tpu.memref_slice %arg2[%dma_start3A_76, %dma_start3A_77] : memref<4096x128xi32, #tpu.memory_space<hbm>> -> memref<4096x128xi32, #tpu.memory_space<hbm>>
    tpu.enqueue_indirect_dma source(%dma_start3A_78 : memref<4096x128xi32, #tpu.memory_space<hbm>>) target(%arg7 : memref<128x128xi32, #tpu.memory_space<vmem>>) offsets(%dma_start3A_75 : memref<128xi32, #tpu.memory_space<vmem>>) semaphore(%arg10 : memref<!tpu.dma_semaphore, #tpu.memory_space<semaphore_mem>>)
    %add3A_79 = arith.constant 256 : i32
    %add3A_80 = arith.addi %mul3A_2, %add3A_79 : i32
    %dma_start3A_81 = arith.constant 0 : i32
    %dma_start3A_82 = tpu.memref_slice %arg4[%add3A_80, %dma_start3A_81] : memref<32768x128xi32, #tpu.memory_space<hbm>> -> memref<128x128xi32, #tpu.memory_space<hbm>>
    %dma_start3A_83 = arith.constant 0 : i32
    %dma_start3A_84 = tpu.memref_slice %arg4[%add3A_80, %dma_start3A_83] : memref<32768x128xi32, #tpu.memory_space<hbm>> -> memref<128x128xi32, #tpu.memory_space<hbm>>
    tpu.enqueue_dma source(%arg8 : memref<128x128xi32, #tpu.memory_space<vmem>>) target(%dma_start3A_84 : memref<128x128xi32, #tpu.memory_space<hbm>>) target_semaphore(%arg14 : memref<!tpu.dma_semaphore, #tpu.memory_space<semaphore_mem>>)
    %dma_wait3A_85 = arith.constant 3 : i32
    %dma_wait3A_86 = arith.constant 0 : i32
    %dma_wait3A_87 = tpu.memref_slice %arg5[%dma_wait3A_85, %dma_wait3A_86] : memref<8x128xi32, #tpu.memory_space<vmem>> -> memref<1x128xi32, #tpu.memory_space<vmem>>
    %dma_wait3A_88 = tpu.memref_squeeze %dma_wait3A_87 : memref<1x128xi32, #tpu.memory_space<vmem>> -> memref<128xi32, #tpu.memory_space<vmem>>
    %dma_wait3A_89 = arith.constant 0 : i32
    %dma_wait3A_90 = arith.constant 0 : i32
    %dma_wait3A_91 = tpu.memref_slice %arg2[%dma_wait3A_89, %dma_wait3A_90] : memref<4096x128xi32, #tpu.memory_space<hbm>> -> memref<4096x128xi32, #tpu.memory_space<hbm>>
    tpu.wait_indirect_dma semaphore(%arg9 : memref<!tpu.dma_semaphore, #tpu.memory_space<semaphore_mem>>) src(%dma_wait3A_91 : memref<4096x128xi32, #tpu.memory_space<hbm>>) dst(%arg6 : memref<128x128xi32, #tpu.memory_space<vmem>>)
    %dma_wait3A_92 = arith.constant 0 : i32
    %dma_wait3A_93 = tpu.memref_slice %arg4[%add3A_80, %dma_wait3A_92] : memref<32768x128xi32, #tpu.memory_space<hbm>> -> memref<128x128xi32, #tpu.memory_space<hbm>>
    %dma_wait3A_94 = arith.constant 0 : i32
    %dma_wait3A_95 = tpu.memref_slice %arg4[%add3A_80, %dma_wait3A_94] : memref<32768x128xi32, #tpu.memory_space<hbm>> -> memref<128x128xi32, #tpu.memory_space<hbm>>
    tpu.wait_dma2 semaphore(%arg14 : memref<!tpu.dma_semaphore, #tpu.memory_space<semaphore_mem>>) src(%arg8 : memref<128x128xi32, #tpu.memory_space<vmem>>) dst(%dma_wait3A_95 : memref<128x128xi32, #tpu.memory_space<hbm>>)
    %dma_start3A_96 = arith.constant 5 : i32
    %dma_start3A_97 = arith.constant 0 : i32
    %dma_start3A_98 = tpu.memref_slice %arg5[%dma_start3A_96, %dma_start3A_97] : memref<8x128xi32, #tpu.memory_space<vmem>> -> memref<1x128xi32, #tpu.memory_space<vmem>>
    %dma_start3A_99 = tpu.memref_squeeze %dma_start3A_98 : memref<1x128xi32, #tpu.memory_space<vmem>> -> memref<128xi32, #tpu.memory_space<vmem>>
    %dma_start3A_100 = arith.constant 0 : i32
    %dma_start3A_101 = arith.constant 0 : i32
    %dma_start3A_102 = tpu.memref_slice %arg2[%dma_start3A_100, %dma_start3A_101] : memref<4096x128xi32, #tpu.memory_space<hbm>> -> memref<4096x128xi32, #tpu.memory_space<hbm>>
    tpu.enqueue_indirect_dma source(%dma_start3A_102 : memref<4096x128xi32, #tpu.memory_space<hbm>>) target(%arg8 : memref<128x128xi32, #tpu.memory_space<vmem>>) offsets(%dma_start3A_99 : memref<128xi32, #tpu.memory_space<vmem>>) semaphore(%arg11 : memref<!tpu.dma_semaphore, #tpu.memory_space<semaphore_mem>>)
    %add3A_103 = arith.constant 384 : i32
    %add3A_104 = arith.addi %mul3A_2, %add3A_103 : i32
    %dma_start3A_105 = arith.constant 0 : i32
    %dma_start3A_106 = tpu.memref_slice %arg4[%add3A_104, %dma_start3A_105] : memref<32768x128xi32, #tpu.memory_space<hbm>> -> memref<128x128xi32, #tpu.memory_space<hbm>>
    %dma_start3A_107 = arith.constant 0 : i32
    %dma_start3A_108 = tpu.memref_slice %arg4[%add3A_104, %dma_start3A_107] : memref<32768x128xi32, #tpu.memory_space<hbm>> -> memref<128x128xi32, #tpu.memory_space<hbm>>
    tpu.enqueue_dma source(%arg6 : memref<128x128xi32, #tpu.memory_space<vmem>>) target(%dma_start3A_108 : memref<128x128xi32, #tpu.memory_space<hbm>>) target_semaphore(%arg12 : memref<!tpu.dma_semaphore, #tpu.memory_space<semaphore_mem>>)
    %dma_wait3A_109 = arith.constant 4 : i32
    %dma_wait3A_110 = arith.constant 0 : i32
    %dma_wait3A_111 = tpu.memref_slice %arg5[%dma_wait3A_109, %dma_wait3A_110] : memref<8x128xi32, #tpu.memory_space<vmem>> -> memref<1x128xi32, #tpu.memory_space<vmem>>
    %dma_wait3A_112 = tpu.memref_squeeze %dma_wait3A_111 : memref<1x128xi32, #tpu.memory_space<vmem>> -> memref<128xi32, #tpu.memory_space<vmem>>
    %dma_wait3A_113 = arith.constant 0 : i32
    %dma_wait3A_114 = arith.constant 0 : i32
    %dma_wait3A_115 = tpu.memref_slice %arg2[%dma_wait3A_113, %dma_wait3A_114] : memref<4096x128xi32, #tpu.memory_space<hbm>> -> memref<4096x128xi32, #tpu.memory_space<hbm>>
    tpu.wait_indirect_dma semaphore(%arg10 : memref<!tpu.dma_semaphore, #tpu.memory_space<semaphore_mem>>) src(%dma_wait3A_115 : memref<4096x128xi32, #tpu.memory_space<hbm>>) dst(%arg7 : memref<128x128xi32, #tpu.memory_space<vmem>>)
    %dma_wait3A_116 = arith.constant 0 : i32
    %dma_wait3A_117 = tpu.memref_slice %arg4[%add3A_104, %dma_wait3A_116] : memref<32768x128xi32, #tpu.memory_space<hbm>> -> memref<128x128xi32, #tpu.memory_space<hbm>>
    %dma_wait3A_118 = arith.constant 0 : i32
    %dma_wait3A_119 = tpu.memref_slice %arg4[%add3A_104, %dma_wait3A_118] : memref<32768x128xi32, #tpu.memory_space<hbm>> -> memref<128x128xi32, #tpu.memory_space<hbm>>
    tpu.wait_dma2 semaphore(%arg12 : memref<!tpu.dma_semaphore, #tpu.memory_space<semaphore_mem>>) src(%arg6 : memref<128x128xi32, #tpu.memory_space<vmem>>) dst(%dma_wait3A_119 : memref<128x128xi32, #tpu.memory_space<hbm>>)
    %dma_start3A_120 = arith.constant 6 : i32
    %dma_start3A_121 = arith.constant 0 : i32
    %dma_start3A_122 = tpu.memref_slice %arg5[%dma_start3A_120, %dma_start3A_121] : memref<8x128xi32, #tpu.memory_space<vmem>> -> memref<1x128xi32, #tpu.memory_space<vmem>>
    %dma_start3A_123 = tpu.memref_squeeze %dma_start3A_122 : memref<1x128xi32, #tpu.memory_space<vmem>> -> memref<128xi32, #tpu.memory_space<vmem>>
    %dma_start3A_124 = arith.constant 0 : i32
    %dma_start3A_125 = arith.constant 0 : i32
    %dma_start3A_126 = tpu.memref_slice %arg2[%dma_start3A_124, %dma_start3A_125] : memref<4096x128xi32, #tpu.memory_space<hbm>> -> memref<4096x128xi32, #tpu.memory_space<hbm>>
    tpu.enqueue_indirect_dma source(%dma_start3A_126 : memref<4096x128xi32, #tpu.memory_space<hbm>>) target(%arg6 : memref<128x128xi32, #tpu.memory_space<vmem>>) offsets(%dma_start3A_123 : memref<128xi32, #tpu.memory_space<vmem>>) semaphore(%arg9 : memref<!tpu.dma_semaphore, #tpu.memory_space<semaphore_mem>>)
    %add3A_127 = arith.constant 512 : i32
    %add3A_128 = arith.addi %mul3A_2, %add3A_127 : i32
    %dma_start3A_129 = arith.constant 0 : i32
    %dma_start3A_130 = tpu.memref_slice %arg4[%add3A_128, %dma_start3A_129] : memref<32768x128xi32, #tpu.memory_space<hbm>> -> memref<128x128xi32, #tpu.memory_space<hbm>>
    %dma_start3A_131 = arith.constant 0 : i32
    %dma_start3A_132 = tpu.memref_slice %arg4[%add3A_128, %dma_start3A_131] : memref<32768x128xi32, #tpu.memory_space<hbm>> -> memref<128x128xi32, #tpu.memory_space<hbm>>
    tpu.enqueue_dma source(%arg7 : memref<128x128xi32, #tpu.memory_space<vmem>>) target(%dma_start3A_132 : memref<128x128xi32, #tpu.memory_space<hbm>>) target_semaphore(%arg13 : memref<!tpu.dma_semaphore, #tpu.memory_space<semaphore_mem>>)
    %dma_wait3A_133 = arith.constant 5 : i32
    %dma_wait3A_134 = arith.constant 0 : i32
    %dma_wait3A_135 = tpu.memref_slice %arg5[%dma_wait3A_133, %dma_wait3A_134] : memref<8x128xi32, #tpu.memory_space<vmem>> -> memref<1x128xi32, #tpu.memory_space<vmem>>
    %dma_wait3A_136 = tpu.memref_squeeze %dma_wait3A_135 : memref<1x128xi32, #tpu.memory_space<vmem>> -> memref<128xi32, #tpu.memory_space<vmem>>
    %dma_wait3A_137 = arith.constant 0 : i32
    %dma_wait3A_138 = arith.constant 0 : i32
    %dma_wait3A_139 = tpu.memref_slice %arg2[%dma_wait3A_137, %dma_wait3A_138] : memref<4096x128xi32, #tpu.memory_space<hbm>> -> memref<4096x128xi32, #tpu.memory_space<hbm>>
    tpu.wait_indirect_dma semaphore(%arg11 : memref<!tpu.dma_semaphore, #tpu.memory_space<semaphore_mem>>) src(%dma_wait3A_139 : memref<4096x128xi32, #tpu.memory_space<hbm>>) dst(%arg8 : memref<128x128xi32, #tpu.memory_space<vmem>>)
    %dma_wait3A_140 = arith.constant 0 : i32
    %dma_wait3A_141 = tpu.memref_slice %arg4[%add3A_128, %dma_wait3A_140] : memref<32768x128xi32, #tpu.memory_space<hbm>> -> memref<128x128xi32, #tpu.memory_space<hbm>>
    %dma_wait3A_142 = arith.constant 0 : i32
    %dma_wait3A_143 = tpu.memref_slice %arg4[%add3A_128, %dma_wait3A_142] : memref<32768x128xi32, #tpu.memory_space<hbm>> -> memref<128x128xi32, #tpu.memory_space<hbm>>
    tpu.wait_dma2 semaphore(%arg13 : memref<!tpu.dma_semaphore, #tpu.memory_space<semaphore_mem>>) src(%arg7 : memref<128x128xi32, #tpu.memory_space<vmem>>) dst(%dma_wait3A_143 : memref<128x128xi32, #tpu.memory_space<hbm>>)
    %dma_start3A_144 = arith.constant 7 : i32
    %dma_start3A_145 = arith.constant 0 : i32
    %dma_start3A_146 = tpu.memref_slice %arg5[%dma_start3A_144, %dma_start3A_145] : memref<8x128xi32, #tpu.memory_space<vmem>> -> memref<1x128xi32, #tpu.memory_space<vmem>>
    %dma_start3A_147 = tpu.memref_squeeze %dma_start3A_146 : memref<1x128xi32, #tpu.memory_space<vmem>> -> memref<128xi32, #tpu.memory_space<vmem>>
    %dma_start3A_148 = arith.constant 0 : i32
    %dma_start3A_149 = arith.constant 0 : i32
    %dma_start3A_150 = tpu.memref_slice %arg2[%dma_start3A_148, %dma_start3A_149] : memref<4096x128xi32, #tpu.memory_space<hbm>> -> memref<4096x128xi32, #tpu.memory_space<hbm>>
    tpu.enqueue_indirect_dma source(%dma_start3A_150 : memref<4096x128xi32, #tpu.memory_space<hbm>>) target(%arg7 : memref<128x128xi32, #tpu.memory_space<vmem>>) offsets(%dma_start3A_147 : memref<128xi32, #tpu.memory_space<vmem>>) semaphore(%arg10 : memref<!tpu.dma_semaphore, #tpu.memory_space<semaphore_mem>>)
    %add3A_151 = arith.constant 640 : i32
    %add3A_152 = arith.addi %mul3A_2, %add3A_151 : i32
    %dma_start3A_153 = arith.constant 0 : i32
    %dma_start3A_154 = tpu.memref_slice %arg4[%add3A_152, %dma_start3A_153] : memref<32768x128xi32, #tpu.memory_space<hbm>> -> memref<128x128xi32, #tpu.memory_space<hbm>>
    %dma_start3A_155 = arith.constant 0 : i32
    %dma_start3A_156 = tpu.memref_slice %arg4[%add3A_152, %dma_start3A_155] : memref<32768x128xi32, #tpu.memory_space<hbm>> -> memref<128x128xi32, #tpu.memory_space<hbm>>
    tpu.enqueue_dma source(%arg8 : memref<128x128xi32, #tpu.memory_space<vmem>>) target(%dma_start3A_156 : memref<128x128xi32, #tpu.memory_space<hbm>>) target_semaphore(%arg14 : memref<!tpu.dma_semaphore, #tpu.memory_space<semaphore_mem>>)
    %dma_wait3A_157 = arith.constant 6 : i32
    %dma_wait3A_158 = arith.constant 0 : i32
    %dma_wait3A_159 = tpu.memref_slice %arg5[%dma_wait3A_157, %dma_wait3A_158] : memref<8x128xi32, #tpu.memory_space<vmem>> -> memref<1x128xi32, #tpu.memory_space<vmem>>
    %dma_wait3A_160 = tpu.memref_squeeze %dma_wait3A_159 : memref<1x128xi32, #tpu.memory_space<vmem>> -> memref<128xi32, #tpu.memory_space<vmem>>
    %dma_wait3A_161 = arith.constant 0 : i32
    %dma_wait3A_162 = arith.constant 0 : i32
    %dma_wait3A_163 = tpu.memref_slice %arg2[%dma_wait3A_161, %dma_wait3A_162] : memref<4096x128xi32, #tpu.memory_space<hbm>> -> memref<4096x128xi32, #tpu.memory_space<hbm>>
    tpu.wait_indirect_dma semaphore(%arg9 : memref<!tpu.dma_semaphore, #tpu.memory_space<semaphore_mem>>) src(%dma_wait3A_163 : memref<4096x128xi32, #tpu.memory_space<hbm>>) dst(%arg6 : memref<128x128xi32, #tpu.memory_space<vmem>>)
    %add3A_164 = arith.constant 768 : i32
    %add3A_165 = arith.addi %mul3A_2, %add3A_164 : i32
    %dma_start3A_166 = arith.constant 0 : i32
    %dma_start3A_167 = tpu.memref_slice %arg4[%add3A_165, %dma_start3A_166] : memref<32768x128xi32, #tpu.memory_space<hbm>> -> memref<128x128xi32, #tpu.memory_space<hbm>>
    %dma_start3A_168 = arith.constant 0 : i32
    %dma_start3A_169 = tpu.memref_slice %arg4[%add3A_165, %dma_start3A_168] : memref<32768x128xi32, #tpu.memory_space<hbm>> -> memref<128x128xi32, #tpu.memory_space<hbm>>
    tpu.enqueue_dma source(%arg6 : memref<128x128xi32, #tpu.memory_space<vmem>>) target(%dma_start3A_169 : memref<128x128xi32, #tpu.memory_space<hbm>>) target_semaphore(%arg12 : memref<!tpu.dma_semaphore, #tpu.memory_space<semaphore_mem>>)
    %dma_wait3A_170 = arith.constant 7 : i32
    %dma_wait3A_171 = arith.constant 0 : i32
    %dma_wait3A_172 = tpu.memref_slice %arg5[%dma_wait3A_170, %dma_wait3A_171] : memref<8x128xi32, #tpu.memory_space<vmem>> -> memref<1x128xi32, #tpu.memory_space<vmem>>
    %dma_wait3A_173 = tpu.memref_squeeze %dma_wait3A_172 : memref<1x128xi32, #tpu.memory_space<vmem>> -> memref<128xi32, #tpu.memory_space<vmem>>
    %dma_wait3A_174 = arith.constant 0 : i32
    %dma_wait3A_175 = arith.constant 0 : i32
    %dma_wait3A_176 = tpu.memref_slice %arg2[%dma_wait3A_174, %dma_wait3A_175] : memref<4096x128xi32, #tpu.memory_space<hbm>> -> memref<4096x128xi32, #tpu.memory_space<hbm>>
    tpu.wait_indirect_dma semaphore(%arg10 : memref<!tpu.dma_semaphore, #tpu.memory_space<semaphore_mem>>) src(%dma_wait3A_176 : memref<4096x128xi32, #tpu.memory_space<hbm>>) dst(%arg7 : memref<128x128xi32, #tpu.memory_space<vmem>>)
    %add3A_177 = arith.constant 896 : i32
    %add3A_178 = arith.addi %mul3A_2, %add3A_177 : i32
    %dma_start3A_179 = arith.constant 0 : i32
    %dma_start3A_180 = tpu.memref_slice %arg4[%add3A_178, %dma_start3A_179] : memref<32768x128xi32, #tpu.memory_space<hbm>> -> memref<128x128xi32, #tpu.memory_space<hbm>>
    %dma_start3A_181 = arith.constant 0 : i32
    %dma_start3A_182 = tpu.memref_slice %arg4[%add3A_178, %dma_start3A_181] : memref<32768x128xi32, #tpu.memory_space<hbm>> -> memref<128x128xi32, #tpu.memory_space<hbm>>
    tpu.enqueue_dma source(%arg7 : memref<128x128xi32, #tpu.memory_space<vmem>>) target(%dma_start3A_182 : memref<128x128xi32, #tpu.memory_space<hbm>>) target_semaphore(%arg13 : memref<!tpu.dma_semaphore, #tpu.memory_space<semaphore_mem>>)
    %dma_wait3A_183 = arith.constant 0 : i32
    %dma_wait3A_184 = tpu.memref_slice %arg4[%add3A_152, %dma_wait3A_183] : memref<32768x128xi32, #tpu.memory_space<hbm>> -> memref<128x128xi32, #tpu.memory_space<hbm>>
    %dma_wait3A_185 = arith.constant 0 : i32
    %dma_wait3A_186 = tpu.memref_slice %arg4[%add3A_152, %dma_wait3A_185] : memref<32768x128xi32, #tpu.memory_space<hbm>> -> memref<128x128xi32, #tpu.memory_space<hbm>>
    tpu.wait_dma2 semaphore(%arg14 : memref<!tpu.dma_semaphore, #tpu.memory_space<semaphore_mem>>) src(%arg8 : memref<128x128xi32, #tpu.memory_space<vmem>>) dst(%dma_wait3A_186 : memref<128x128xi32, #tpu.memory_space<hbm>>)
    %dma_wait3A_187 = arith.constant 0 : i32
    %dma_wait3A_188 = tpu.memref_slice %arg4[%add3A_165, %dma_wait3A_187] : memref<32768x128xi32, #tpu.memory_space<hbm>> -> memref<128x128xi32, #tpu.memory_space<hbm>>
    %dma_wait3A_189 = arith.constant 0 : i32
    %dma_wait3A_190 = tpu.memref_slice %arg4[%add3A_165, %dma_wait3A_189] : memref<32768x128xi32, #tpu.memory_space<hbm>> -> memref<128x128xi32, #tpu.memory_space<hbm>>
    tpu.wait_dma2 semaphore(%arg12 : memref<!tpu.dma_semaphore, #tpu.memory_space<semaphore_mem>>) src(%arg6 : memref<128x128xi32, #tpu.memory_space<vmem>>) dst(%dma_wait3A_190 : memref<128x128xi32, #tpu.memory_space<hbm>>)
    %dma_wait3A_191 = arith.constant 0 : i32
    %dma_wait3A_192 = tpu.memref_slice %arg4[%add3A_178, %dma_wait3A_191] : memref<32768x128xi32, #tpu.memory_space<hbm>> -> memref<128x128xi32, #tpu.memory_space<hbm>>
    %dma_wait3A_193 = arith.constant 0 : i32
    %dma_wait3A_194 = tpu.memref_slice %arg4[%add3A_178, %dma_wait3A_193] : memref<32768x128xi32, #tpu.memory_space<hbm>> -> memref<128x128xi32, #tpu.memory_space<hbm>>
    tpu.wait_dma2 semaphore(%arg13 : memref<!tpu.dma_semaphore, #tpu.memory_space<semaphore_mem>>) src(%arg7 : memref<128x128xi32, #tpu.memory_space<vmem>>) dst(%dma_wait3A_194 : memref<128x128xi32, #tpu.memory_space<hbm>>)
    return
  }
}

#map = affine_map<(d0, d1) -> (0, 0)>
module attributes {stable_mosaic.version = 14 : i64} {
  func.func @gk(%arg0: i32, %arg1: i32, %arg2: memref<4096x128xi32, #tpu.memory_space<hbm>>, %arg3: memref<256x128xi32, #tpu.memory_space<hbm>>, %arg4: memref<32768x128xi32, #tpu.memory_space<hbm>>, %arg5: memref<8x128xi32, #tpu.memory_space<vmem>>, %arg6: memref<128x128xi32, #tpu.memory_space<vmem>>, %arg7: memref<128x128xi32, #tpu.memory_space<vmem>>, %arg8: memref<128x128xi32, #tpu.memory_space<vmem>>, %arg9: memref<!tpu.dma_semaphore, #tpu.memory_space<semaphore_mem>>, %arg10: memref<!tpu.dma_semaphore, #tpu.memory_space<semaphore_mem>>, %arg11: memref<!tpu.dma_semaphore, #tpu.memory_space<semaphore_mem>>, %arg12: memref<!tpu.dma_semaphore, #tpu.memory_space<semaphore_mem>>, %arg13: memref<!tpu.dma_semaphore, #tpu.memory_space<semaphore_mem>>, %arg14: memref<!tpu.dma_semaphore, #tpu.memory_space<semaphore_mem>>) attributes {dimension_semantics = [#tpu.dimension_semantics<core_parallel>, #tpu.dimension_semantics<subcore_parallel>], iteration_bounds = array<i64: 2, 16>, scalar_prefetch = 0 : i64, scratch_operands = 10 : i64, tpu.core_type = #tpu.core_type<sc_vector_subcore>, window_params = [{transform_indices = #map}, {transform_indices = #map}, {transform_indices = #map}]} {
    %mul3A = arith.constant 2 : i32
    %mul3A_0 = arith.muli %arg1, %mul3A : i32
    %add3A = arith.addi %mul3A_0, %arg0 : i32
    %mul3A_1 = arith.constant 1024 : i32
    %mul3A_2 = arith.muli %add3A, %mul3A_1 : i32
    %mul3A_3 = arith.constant 8 : i32
    %mul3A_4 = arith.muli %add3A, %mul3A_3 : i32
    "tpu.region"() ({
      %run_scoped3A = tpu.sem_alloc : memref<!tpu.dma_semaphore, #tpu.memory_space<semaphore_mem>>
      %dma_start3A_195 = arith.constant 0 : i32
      %dma_start3A_196 = tpu.memref_slice %arg3[%mul3A_4, %dma_start3A_195] : memref<256x128xi32, #tpu.memory_space<hbm>> -> memref<8x128xi32, #tpu.memory_space<hbm>>
      %dma_start3A_197 = arith.constant 0 : i32
      %dma_start3A_198 = tpu.memref_slice %arg3[%mul3A_4, %dma_start3A_197] : memref<256x128xi32, #tpu.memory_space<hbm>> -> memref<8x128xi32, #tpu.memory_space<hbm>>
      tpu.enqueue_dma source(%dma_start3A_198 : memref<8x128xi32, #tpu.memory_space<hbm>>) target(%arg5 : memref<8x128xi32, #tpu.memory_space<vmem>>) target_semaphore(%run_scoped3A : memref<!tpu.dma_semaphore, #tpu.memory_space<semaphore_mem>>)
      %dma_wait3A_199 = arith.constant 0 : i32
      %dma_wait3A_200 = tpu.memref_slice %arg3[%mul3A_4, %dma_wait3A_199] : memref<256x128xi32, #tpu.memory_space<hbm>> -> memref<8x128xi32, #tpu.memory_space<hbm>>
      %dma_wait3A_201 = arith.constant 0 : i32
      %dma_wait3A_202 = tpu.memref_slice %arg3[%mul3A_4, %dma_wait3A_201] : memref<256x128xi32, #tpu.memory_space<hbm>> -> memref<8x128xi32, #tpu.memory_space<hbm>>
      tpu.wait_dma2 semaphore(%run_scoped3A : memref<!tpu.dma_semaphore, #tpu.memory_space<semaphore_mem>>) src(%dma_wait3A_202 : memref<8x128xi32, #tpu.memory_space<hbm>>) dst(%arg5 : memref<8x128xi32, #tpu.memory_space<vmem>>)
      tpu.yield
    }) : () -> ()
    %dma_start3A = arith.constant 0 : i32
    %dma_start3A_5 = arith.constant 0 : i32
    %dma_start3A_6 = tpu.memref_slice %arg5[%dma_start3A, %dma_start3A_5] : memref<8x128xi32, #tpu.memory_space<vmem>> -> memref<1x128xi32, #tpu.memory_space<vmem>>
    %dma_start3A_7 = tpu.memref_squeeze %dma_start3A_6 : memref<1x128xi32, #tpu.memory_space<vmem>> -> memref<128xi32, #tpu.memory_space<vmem>>
    %dma_start3A_8 = arith.constant 0 : i32
    %dma_start3A_9 = arith.constant 0 : i32
    %dma_start3A_10 = tpu.memref_slice %arg2[%dma_start3A_8, %dma_start3A_9] : memref<4096x128xi32, #tpu.memory_space<hbm>> -> memref<4096x128xi32, #tpu.memory_space<hbm>>
    tpu.enqueue_indirect_dma source(%dma_start3A_10 : memref<4096x128xi32, #tpu.memory_space<hbm>>) target(%arg6 : memref<128x128xi32, #tpu.memory_space<vmem>>) offsets(%dma_start3A_7 : memref<128xi32, #tpu.memory_space<vmem>>) semaphore(%arg9 : memref<!tpu.dma_semaphore, #tpu.memory_space<semaphore_mem>>)
    %dma_start3A_11 = arith.constant 1 : i32
    %dma_start3A_12 = arith.constant 0 : i32
    %dma_start3A_13 = tpu.memref_slice %arg5[%dma_start3A_11, %dma_start3A_12] : memref<8x128xi32, #tpu.memory_space<vmem>> -> memref<1x128xi32, #tpu.memory_space<vmem>>
    %dma_start3A_14 = tpu.memref_squeeze %dma_start3A_13 : memref<1x128xi32, #tpu.memory_space<vmem>> -> memref<128xi32, #tpu.memory_space<vmem>>
    %dma_start3A_15 = arith.constant 0 : i32
    %dma_start3A_16 = arith.constant 0 : i32
    %dma_start3A_17 = tpu.memref_slice %arg2[%dma_start3A_15, %dma_start3A_16] : memref<4096x128xi32, #tpu.memory_space<hbm>> -> memref<4096x128xi32, #tpu.memory_space<hbm>>
    tpu.enqueue_indirect_dma source(%dma_start3A_17 : memref<4096x128xi32, #tpu.memory_space<hbm>>) target(%arg7 : memref<128x128xi32, #tpu.memory_space<vmem>>) offsets(%dma_start3A_14 : memref<128xi32, #tpu.memory_space<vmem>>) semaphore(%arg10 : memref<!tpu.dma_semaphore, #tpu.memory_space<semaphore_mem>>)
    %dma_wait3A = arith.constant 0 : i32
    %dma_wait3A_18 = arith.constant 0 : i32
    %dma_wait3A_19 = tpu.memref_slice %arg5[%dma_wait3A, %dma_wait3A_18] : memref<8x128xi32, #tpu.memory_space<vmem>> -> memref<1x128xi32, #tpu.memory_space<vmem>>
    %dma_wait3A_20 = tpu.memref_squeeze %dma_wait3A_19 : memref<1x128xi32, #tpu.memory_space<vmem>> -> memref<128xi32, #tpu.memory_space<vmem>>
    %dma_wait3A_21 = arith.constant 0 : i32
    %dma_wait3A_22 = arith.constant 0 : i32
    %dma_wait3A_23 = tpu.memref_slice %arg2[%dma_wait3A_21, %dma_wait3A_22] : memref<4096x128xi32, #tpu.memory_space<hbm>> -> memref<4096x128xi32, #tpu.memory_space<hbm>>
    tpu.wait_indirect_dma semaphore(%arg9 : memref<!tpu.dma_semaphore, #tpu.memory_space<semaphore_mem>>) src(%dma_wait3A_23 : memref<4096x128xi32, #tpu.memory_space<hbm>>) dst(%arg6 : memref<128x128xi32, #tpu.memory_space<vmem>>)
    %dma_start3A_24 = arith.constant 2 : i32
    %dma_start3A_25 = arith.constant 0 : i32
    %dma_start3A_26 = tpu.memref_slice %arg5[%dma_start3A_24, %dma_start3A_25] : memref<8x128xi32, #tpu.memory_space<vmem>> -> memref<1x128xi32, #tpu.memory_space<vmem>>
    %dma_start3A_27 = tpu.memref_squeeze %dma_start3A_26 : memref<1x128xi32, #tpu.memory_space<vmem>> -> memref<128xi32, #tpu.memory_space<vmem>>
    %dma_start3A_28 = arith.constant 0 : i32
    %dma_start3A_29 = arith.constant 0 : i32
    %dma_start3A_30 = tpu.memref_slice %arg2[%dma_start3A_28, %dma_start3A_29] : memref<4096x128xi32, #tpu.memory_space<hbm>> -> memref<4096x128xi32, #tpu.memory_space<hbm>>
    tpu.enqueue_indirect_dma source(%dma_start3A_30 : memref<4096x128xi32, #tpu.memory_space<hbm>>) target(%arg8 : memref<128x128xi32, #tpu.memory_space<vmem>>) offsets(%dma_start3A_27 : memref<128xi32, #tpu.memory_space<vmem>>) semaphore(%arg11 : memref<!tpu.dma_semaphore, #tpu.memory_space<semaphore_mem>>)
    %add3A_31 = arith.constant 0 : i32
    %add3A_32 = arith.addi %mul3A_2, %add3A_31 : i32
    %dma_start3A_33 = arith.constant 0 : i32
    %dma_start3A_34 = tpu.memref_slice %arg4[%add3A_32, %dma_start3A_33] : memref<32768x128xi32, #tpu.memory_space<hbm>> -> memref<128x128xi32, #tpu.memory_space<hbm>>
    %dma_start3A_35 = arith.constant 0 : i32
    %dma_start3A_36 = tpu.memref_slice %arg4[%add3A_32, %dma_start3A_35] : memref<32768x128xi32, #tpu.memory_space<hbm>> -> memref<128x128xi32, #tpu.memory_space<hbm>>
    tpu.enqueue_dma source(%arg6 : memref<128x128xi32, #tpu.memory_space<vmem>>) target(%dma_start3A_36 : memref<128x128xi32, #tpu.memory_space<hbm>>) target_semaphore(%arg12 : memref<!tpu.dma_semaphore, #tpu.memory_space<semaphore_mem>>)
    %dma_wait3A_37 = arith.constant 1 : i32
    %dma_wait3A_38 = arith.constant 0 : i32
    %dma_wait3A_39 = tpu.memref_slice %arg5[%dma_wait3A_37, %dma_wait3A_38] : memref<8x128xi32, #tpu.memory_space<vmem>> -> memref<1x128xi32, #tpu.memory_space<vmem>>
    %dma_wait3A_40 = tpu.memref_squeeze %dma_wait3A_39 : memref<1x128xi32, #tpu.memory_space<vmem>> -> memref<128xi32, #tpu.memory_space<vmem>>
    %dma_wait3A_41 = arith.constant 0 : i32
    %dma_wait3A_42 = arith.constant 0 : i32
    %dma_wait3A_43 = tpu.memref_slice %arg2[%dma_wait3A_41, %dma_wait3A_42] : memref<4096x128xi32, #tpu.memory_space<hbm>> -> memref<4096x128xi32, #tpu.memory_space<hbm>>
    tpu.wait_indirect_dma semaphore(%arg10 : memref<!tpu.dma_semaphore, #tpu.memory_space<semaphore_mem>>) src(%dma_wait3A_43 : memref<4096x128xi32, #tpu.memory_space<hbm>>) dst(%arg7 : memref<128x128xi32, #tpu.memory_space<vmem>>)
    %dma_wait3A_44 = arith.constant 0 : i32
    %dma_wait3A_45 = tpu.memref_slice %arg4[%add3A_32, %dma_wait3A_44] : memref<32768x128xi32, #tpu.memory_space<hbm>> -> memref<128x128xi32, #tpu.memory_space<hbm>>
    %dma_wait3A_46 = arith.constant 0 : i32
    %dma_wait3A_47 = tpu.memref_slice %arg4[%add3A_32, %dma_wait3A_46] : memref<32768x128xi32, #tpu.memory_space<hbm>> -> memref<128x128xi32, #tpu.memory_space<hbm>>
    tpu.wait_dma2 semaphore(%arg12 : memref<!tpu.dma_semaphore, #tpu.memory_space<semaphore_mem>>) src(%arg6 : memref<128x128xi32, #tpu.memory_space<vmem>>) dst(%dma_wait3A_47 : memref<128x128xi32, #tpu.memory_space<hbm>>)
    %dma_start3A_48 = arith.constant 3 : i32
    %dma_start3A_49 = arith.constant 0 : i32
    %dma_start3A_50 = tpu.memref_slice %arg5[%dma_start3A_48, %dma_start3A_49] : memref<8x128xi32, #tpu.memory_space<vmem>> -> memref<1x128xi32, #tpu.memory_space<vmem>>
    %dma_start3A_51 = tpu.memref_squeeze %dma_start3A_50 : memref<1x128xi32, #tpu.memory_space<vmem>> -> memref<128xi32, #tpu.memory_space<vmem>>
    %dma_start3A_52 = arith.constant 0 : i32
    %dma_start3A_53 = arith.constant 0 : i32
    %dma_start3A_54 = tpu.memref_slice %arg2[%dma_start3A_52, %dma_start3A_53] : memref<4096x128xi32, #tpu.memory_space<hbm>> -> memref<4096x128xi32, #tpu.memory_space<hbm>>
    tpu.enqueue_indirect_dma source(%dma_start3A_54 : memref<4096x128xi32, #tpu.memory_space<hbm>>) target(%arg6 : memref<128x128xi32, #tpu.memory_space<vmem>>) offsets(%dma_start3A_51 : memref<128xi32, #tpu.memory_space<vmem>>) semaphore(%arg9 : memref<!tpu.dma_semaphore, #tpu.memory_space<semaphore_mem>>)
    %add3A_55 = arith.constant 128 : i32
    %add3A_56 = arith.addi %mul3A_2, %add3A_55 : i32
    %dma_start3A_57 = arith.constant 0 : i32
    %dma_start3A_58 = tpu.memref_slice %arg4[%add3A_56, %dma_start3A_57] : memref<32768x128xi32, #tpu.memory_space<hbm>> -> memref<128x128xi32, #tpu.memory_space<hbm>>
    %dma_start3A_59 = arith.constant 0 : i32
    %dma_start3A_60 = tpu.memref_slice %arg4[%add3A_56, %dma_start3A_59] : memref<32768x128xi32, #tpu.memory_space<hbm>> -> memref<128x128xi32, #tpu.memory_space<hbm>>
    tpu.enqueue_dma source(%arg7 : memref<128x128xi32, #tpu.memory_space<vmem>>) target(%dma_start3A_60 : memref<128x128xi32, #tpu.memory_space<hbm>>) target_semaphore(%arg13 : memref<!tpu.dma_semaphore, #tpu.memory_space<semaphore_mem>>)
    %dma_wait3A_61 = arith.constant 2 : i32
    %dma_wait3A_62 = arith.constant 0 : i32
    %dma_wait3A_63 = tpu.memref_slice %arg5[%dma_wait3A_61, %dma_wait3A_62] : memref<8x128xi32, #tpu.memory_space<vmem>> -> memref<1x128xi32, #tpu.memory_space<vmem>>
    %dma_wait3A_64 = tpu.memref_squeeze %dma_wait3A_63 : memref<1x128xi32, #tpu.memory_space<vmem>> -> memref<128xi32, #tpu.memory_space<vmem>>
    %dma_wait3A_65 = arith.constant 0 : i32
    %dma_wait3A_66 = arith.constant 0 : i32
    %dma_wait3A_67 = tpu.memref_slice %arg2[%dma_wait3A_65, %dma_wait3A_66] : memref<4096x128xi32, #tpu.memory_space<hbm>> -> memref<4096x128xi32, #tpu.memory_space<hbm>>
    tpu.wait_indirect_dma semaphore(%arg11 : memref<!tpu.dma_semaphore, #tpu.memory_space<semaphore_mem>>) src(%dma_wait3A_67 : memref<4096x128xi32, #tpu.memory_space<hbm>>) dst(%arg8 : memref<128x128xi32, #tpu.memory_space<vmem>>)
    %dma_wait3A_68 = arith.constant 0 : i32
    %dma_wait3A_69 = tpu.memref_slice %arg4[%add3A_56, %dma_wait3A_68] : memref<32768x128xi32, #tpu.memory_space<hbm>> -> memref<128x128xi32, #tpu.memory_space<hbm>>
    %dma_wait3A_70 = arith.constant 0 : i32
    %dma_wait3A_71 = tpu.memref_slice %arg4[%add3A_56, %dma_wait3A_70] : memref<32768x128xi32, #tpu.memory_space<hbm>> -> memref<128x128xi32, #tpu.memory_space<hbm>>
    tpu.wait_dma2 semaphore(%arg13 : memref<!tpu.dma_semaphore, #tpu.memory_space<semaphore_mem>>) src(%arg7 : memref<128x128xi32, #tpu.memory_space<vmem>>) dst(%dma_wait3A_71 : memref<128x128xi32, #tpu.memory_space<hbm>>)
    %dma_start3A_72 = arith.constant 4 : i32
    %dma_start3A_73 = arith.constant 0 : i32
    %dma_start3A_74 = tpu.memref_slice %arg5[%dma_start3A_72, %dma_start3A_73] : memref<8x128xi32, #tpu.memory_space<vmem>> -> memref<1x128xi32, #tpu.memory_space<vmem>>
    %dma_start3A_75 = tpu.memref_squeeze %dma_start3A_74 : memref<1x128xi32, #tpu.memory_space<vmem>> -> memref<128xi32, #tpu.memory_space<vmem>>
    %dma_start3A_76 = arith.constant 0 : i32
    %dma_start3A_77 = arith.constant 0 : i32
    %dma_start3A_78 = tpu.memref_slice %arg2[%dma_start3A_76, %dma_start3A_77] : memref<4096x128xi32, #tpu.memory_space<hbm>> -> memref<4096x128xi32, #tpu.memory_space<hbm>>
    tpu.enqueue_indirect_dma source(%dma_start3A_78 : memref<4096x128xi32, #tpu.memory_space<hbm>>) target(%arg7 : memref<128x128xi32, #tpu.memory_space<vmem>>) offsets(%dma_start3A_75 : memref<128xi32, #tpu.memory_space<vmem>>) semaphore(%arg10 : memref<!tpu.dma_semaphore, #tpu.memory_space<semaphore_mem>>)
    %add3A_79 = arith.constant 256 : i32
    %add3A_80 = arith.addi %mul3A_2, %add3A_79 : i32
    %dma_start3A_81 = arith.constant 0 : i32
    %dma_start3A_82 = tpu.memref_slice %arg4[%add3A_80, %dma_start3A_81] : memref<32768x128xi32, #tpu.memory_space<hbm>> -> memref<128x128xi32, #tpu.memory_space<hbm>>
    %dma_start3A_83 = arith.constant 0 : i32
    %dma_start3A_84 = tpu.memref_slice %arg4[%add3A_80, %dma_start3A_83] : memref<32768x128xi32, #tpu.memory_space<hbm>> -> memref<128x128xi32, #tpu.memory_space<hbm>>
    tpu.enqueue_dma source(%arg8 : memref<128x128xi32, #tpu.memory_space<vmem>>) target(%dma_start3A_84 : memref<128x128xi32, #tpu.memory_space<hbm>>) target_semaphore(%arg14 : memref<!tpu.dma_semaphore, #tpu.memory_space<semaphore_mem>>)
    %dma_wait3A_85 = arith.constant 3 : i32
    %dma_wait3A_86 = arith.constant 0 : i32
    %dma_wait3A_87 = tpu.memref_slice %arg5[%dma_wait3A_85, %dma_wait3A_86] : memref<8x128xi32, #tpu.memory_space<vmem>> -> memref<1x128xi32, #tpu.memory_space<vmem>>
    %dma_wait3A_88 = tpu.memref_squeeze %dma_wait3A_87 : memref<1x128xi32, #tpu.memory_space<vmem>> -> memref<128xi32, #tpu.memory_space<vmem>>
    %dma_wait3A_89 = arith.constant 0 : i32
    %dma_wait3A_90 = arith.constant 0 : i32
    %dma_wait3A_91 = tpu.memref_slice %arg2[%dma_wait3A_89, %dma_wait3A_90] : memref<4096x128xi32, #tpu.memory_space<hbm>> -> memref<4096x128xi32, #tpu.memory_space<hbm>>
    tpu.wait_indirect_dma semaphore(%arg9 : memref<!tpu.dma_semaphore, #tpu.memory_space<semaphore_mem>>) src(%dma_wait3A_91 : memref<4096x128xi32, #tpu.memory_space<hbm>>) dst(%arg6 : memref<128x128xi32, #tpu.memory_space<vmem>>)
    %dma_wait3A_92 = arith.constant 0 : i32
    %dma_wait3A_93 = tpu.memref_slice %arg4[%add3A_80, %dma_wait3A_92] : memref<32768x128xi32, #tpu.memory_space<hbm>> -> memref<128x128xi32, #tpu.memory_space<hbm>>
    %dma_wait3A_94 = arith.constant 0 : i32
    %dma_wait3A_95 = tpu.memref_slice %arg4[%add3A_80, %dma_wait3A_94] : memref<32768x128xi32, #tpu.memory_space<hbm>> -> memref<128x128xi32, #tpu.memory_space<hbm>>
    tpu.wait_dma2 semaphore(%arg14 : memref<!tpu.dma_semaphore, #tpu.memory_space<semaphore_mem>>) src(%arg8 : memref<128x128xi32, #tpu.memory_space<vmem>>) dst(%dma_wait3A_95 : memref<128x128xi32, #tpu.memory_space<hbm>>)
    %dma_start3A_96 = arith.constant 5 : i32
    %dma_start3A_97 = arith.constant 0 : i32
    %dma_start3A_98 = tpu.memref_slice %arg5[%dma_start3A_96, %dma_start3A_97] : memref<8x128xi32, #tpu.memory_space<vmem>> -> memref<1x128xi32, #tpu.memory_space<vmem>>
    %dma_start3A_99 = tpu.memref_squeeze %dma_start3A_98 : memref<1x128xi32, #tpu.memory_space<vmem>> -> memref<128xi32, #tpu.memory_space<vmem>>
    %dma_start3A_100 = arith.constant 0 : i32
    %dma_start3A_101 = arith.constant 0 : i32
    %dma_start3A_102 = tpu.memref_slice %arg2[%dma_start3A_100, %dma_start3A_101] : memref<4096x128xi32, #tpu.memory_space<hbm>> -> memref<4096x128xi32, #tpu.memory_space<hbm>>
    tpu.enqueue_indirect_dma source(%dma_start3A_102 : memref<4096x128xi32, #tpu.memory_space<hbm>>) target(%arg8 : memref<128x128xi32, #tpu.memory_space<vmem>>) offsets(%dma_start3A_99 : memref<128xi32, #tpu.memory_space<vmem>>) semaphore(%arg11 : memref<!tpu.dma_semaphore, #tpu.memory_space<semaphore_mem>>)
    %add3A_103 = arith.constant 384 : i32
    %add3A_104 = arith.addi %mul3A_2, %add3A_103 : i32
    %dma_start3A_105 = arith.constant 0 : i32
    %dma_start3A_106 = tpu.memref_slice %arg4[%add3A_104, %dma_start3A_105] : memref<32768x128xi32, #tpu.memory_space<hbm>> -> memref<128x128xi32, #tpu.memory_space<hbm>>
    %dma_start3A_107 = arith.constant 0 : i32
    %dma_start3A_108 = tpu.memref_slice %arg4[%add3A_104, %dma_start3A_107] : memref<32768x128xi32, #tpu.memory_space<hbm>> -> memref<128x128xi32, #tpu.memory_space<hbm>>
    tpu.enqueue_dma source(%arg6 : memref<128x128xi32, #tpu.memory_space<vmem>>) target(%dma_start3A_108 : memref<128x128xi32, #tpu.memory_space<hbm>>) target_semaphore(%arg12 : memref<!tpu.dma_semaphore, #tpu.memory_space<semaphore_mem>>)
    %dma_wait3A_109 = arith.constant 4 : i32
    %dma_wait3A_110 = arith.constant 0 : i32
    %dma_wait3A_111 = tpu.memref_slice %arg5[%dma_wait3A_109, %dma_wait3A_110] : memref<8x128xi32, #tpu.memory_space<vmem>> -> memref<1x128xi32, #tpu.memory_space<vmem>>
    %dma_wait3A_112 = tpu.memref_squeeze %dma_wait3A_111 : memref<1x128xi32, #tpu.memory_space<vmem>> -> memref<128xi32, #tpu.memory_space<vmem>>
    %dma_wait3A_113 = arith.constant 0 : i32
    %dma_wait3A_114 = arith.constant 0 : i32
    %dma_wait3A_115 = tpu.memref_slice %arg2[%dma_wait3A_113, %dma_wait3A_114] : memref<4096x128xi32, #tpu.memory_space<hbm>> -> memref<4096x128xi32, #tpu.memory_space<hbm>>
    tpu.wait_indirect_dma semaphore(%arg10 : memref<!tpu.dma_semaphore, #tpu.memory_space<semaphore_mem>>) src(%dma_wait3A_115 : memref<4096x128xi32, #tpu.memory_space<hbm>>) dst(%arg7 : memref<128x128xi32, #tpu.memory_space<vmem>>)
    %dma_wait3A_116 = arith.constant 0 : i32
    %dma_wait3A_117 = tpu.memref_slice %arg4[%add3A_104, %dma_wait3A_116] : memref<32768x128xi32, #tpu.memory_space<hbm>> -> memref<128x128xi32, #tpu.memory_space<hbm>>
    %dma_wait3A_118 = arith.constant 0 : i32
    %dma_wait3A_119 = tpu.memref_slice %arg4[%add3A_104, %dma_wait3A_118] : memref<32768x128xi32, #tpu.memory_space<hbm>> -> memref<128x128xi32, #tpu.memory_space<hbm>>
    tpu.wait_dma2 semaphore(%arg12 : memref<!tpu.dma_semaphore, #tpu.memory_space<semaphore_mem>>) src(%arg6 : memref<128x128xi32, #tpu.memory_space<vmem>>) dst(%dma_wait3A_119 : memref<128x128xi32, #tpu.memory_space<hbm>>)
    %dma_start3A_120 = arith.constant 6 : i32
    %dma_start3A_121 = arith.constant 0 : i32
    %dma_start3A_122 = tpu.memref_slice %arg5[%dma_start3A_120, %dma_start3A_121] : memref<8x128xi32, #tpu.memory_space<vmem>> -> memref<1x128xi32, #tpu.memory_space<vmem>>
    %dma_start3A_123 = tpu.memref_squeeze %dma_start3A_122 : memref<1x128xi32, #tpu.memory_space<vmem>> -> memref<128xi32, #tpu.memory_space<vmem>>
    %dma_start3A_124 = arith.constant 0 : i32
    %dma_start3A_125 = arith.constant 0 : i32
    %dma_start3A_126 = tpu.memref_slice %arg2[%dma_start3A_124, %dma_start3A_125] : memref<4096x128xi32, #tpu.memory_space<hbm>> -> memref<4096x128xi32, #tpu.memory_space<hbm>>
    tpu.enqueue_indirect_dma source(%dma_start3A_126 : memref<4096x128xi32, #tpu.memory_space<hbm>>) target(%arg6 : memref<128x128xi32, #tpu.memory_space<vmem>>) offsets(%dma_start3A_123 : memref<128xi32, #tpu.memory_space<vmem>>) semaphore(%arg9 : memref<!tpu.dma_semaphore, #tpu.memory_space<semaphore_mem>>)
    %add3A_127 = arith.constant 512 : i32
    %add3A_128 = arith.addi %mul3A_2, %add3A_127 : i32
    %dma_start3A_129 = arith.constant 0 : i32
    %dma_start3A_130 = tpu.memref_slice %arg4[%add3A_128, %dma_start3A_129] : memref<32768x128xi32, #tpu.memory_space<hbm>> -> memref<128x128xi32, #tpu.memory_space<hbm>>
    %dma_start3A_131 = arith.constant 0 : i32
    %dma_start3A_132 = tpu.memref_slice %arg4[%add3A_128, %dma_start3A_131] : memref<32768x128xi32, #tpu.memory_space<hbm>> -> memref<128x128xi32, #tpu.memory_space<hbm>>
    tpu.enqueue_dma source(%arg7 : memref<128x128xi32, #tpu.memory_space<vmem>>) target(%dma_start3A_132 : memref<128x128xi32, #tpu.memory_space<hbm>>) target_semaphore(%arg13 : memref<!tpu.dma_semaphore, #tpu.memory_space<semaphore_mem>>)
    %dma_wait3A_133 = arith.constant 5 : i32
    %dma_wait3A_134 = arith.constant 0 : i32
    %dma_wait3A_135 = tpu.memref_slice %arg5[%dma_wait3A_133, %dma_wait3A_134] : memref<8x128xi32, #tpu.memory_space<vmem>> -> memref<1x128xi32, #tpu.memory_space<vmem>>
    %dma_wait3A_136 = tpu.memref_squeeze %dma_wait3A_135 : memref<1x128xi32, #tpu.memory_space<vmem>> -> memref<128xi32, #tpu.memory_space<vmem>>
    %dma_wait3A_137 = arith.constant 0 : i32
    %dma_wait3A_138 = arith.constant 0 : i32
    %dma_wait3A_139 = tpu.memref_slice %arg2[%dma_wait3A_137, %dma_wait3A_138] : memref<4096x128xi32, #tpu.memory_space<hbm>> -> memref<4096x128xi32, #tpu.memory_space<hbm>>
    tpu.wait_indirect_dma semaphore(%arg11 : memref<!tpu.dma_semaphore, #tpu.memory_space<semaphore_mem>>) src(%dma_wait3A_139 : memref<4096x128xi32, #tpu.memory_space<hbm>>) dst(%arg8 : memref<128x128xi32, #tpu.memory_space<vmem>>)
    %dma_wait3A_140 = arith.constant 0 : i32
    %dma_wait3A_141 = tpu.memref_slice %arg4[%add3A_128, %dma_wait3A_140] : memref<32768x128xi32, #tpu.memory_space<hbm>> -> memref<128x128xi32, #tpu.memory_space<hbm>>
    %dma_wait3A_142 = arith.constant 0 : i32
    %dma_wait3A_143 = tpu.memref_slice %arg4[%add3A_128, %dma_wait3A_142] : memref<32768x128xi32, #tpu.memory_space<hbm>> -> memref<128x128xi32, #tpu.memory_space<hbm>>
    tpu.wait_dma2 semaphore(%arg13 : memref<!tpu.dma_semaphore, #tpu.memory_space<semaphore_mem>>) src(%arg7 : memref<128x128xi32, #tpu.memory_space<vmem>>) dst(%dma_wait3A_143 : memref<128x128xi32, #tpu.memory_space<hbm>>)
    %dma_start3A_144 = arith.constant 7 : i32
    %dma_start3A_145 = arith.constant 0 : i32
    %dma_start3A_146 = tpu.memref_slice %arg5[%dma_start3A_144, %dma_start3A_145] : memref<8x128xi32, #tpu.memory_space<vmem>> -> memref<1x128xi32, #tpu.memory_space<vmem>>
    %dma_start3A_147 = tpu.memref_squeeze %dma_start3A_146 : memref<1x128xi32, #tpu.memory_space<vmem>> -> memref<128xi32, #tpu.memory_space<vmem>>
    %dma_start3A_148 = arith.constant 0 : i32
    %dma_start3A_149 = arith.constant 0 : i32
    %dma_start3A_150 = tpu.memref_slice %arg2[%dma_start3A_148, %dma_start3A_149] : memref<4096x128xi32, #tpu.memory_space<hbm>> -> memref<4096x128xi32, #tpu.memory_space<hbm>>
    tpu.enqueue_indirect_dma source(%dma_start3A_150 : memref<4096x128xi32, #tpu.memory_space<hbm>>) target(%arg7 : memref<128x128xi32, #tpu.memory_space<vmem>>) offsets(%dma_start3A_147 : memref<128xi32, #tpu.memory_space<vmem>>) semaphore(%arg10 : memref<!tpu.dma_semaphore, #tpu.memory_space<semaphore_mem>>)
    %add3A_151 = arith.constant 640 : i32
    %add3A_152 = arith.addi %mul3A_2, %add3A_151 : i32
    %dma_start3A_153 = arith.constant 0 : i32
    %dma_start3A_154 = tpu.memref_slice %arg4[%add3A_152, %dma_start3A_153] : memref<32768x128xi32, #tpu.memory_space<hbm>> -> memref<128x128xi32, #tpu.memory_space<hbm>>
    %dma_start3A_155 = arith.constant 0 : i32
    %dma_start3A_156 = tpu.memref_slice %arg4[%add3A_152, %dma_start3A_155] : memref<32768x128xi32, #tpu.memory_space<hbm>> -> memref<128x128xi32, #tpu.memory_space<hbm>>
    tpu.enqueue_dma source(%arg8 : memref<128x128xi32, #tpu.memory_space<vmem>>) target(%dma_start3A_156 : memref<128x128xi32, #tpu.memory_space<hbm>>) target_semaphore(%arg14 : memref<!tpu.dma_semaphore, #tpu.memory_space<semaphore_mem>>)
    %dma_wait3A_157 = arith.constant 6 : i32
    %dma_wait3A_158 = arith.constant 0 : i32
    %dma_wait3A_159 = tpu.memref_slice %arg5[%dma_wait3A_157, %dma_wait3A_158] : memref<8x128xi32, #tpu.memory_space<vmem>> -> memref<1x128xi32, #tpu.memory_space<vmem>>
    %dma_wait3A_160 = tpu.memref_squeeze %dma_wait3A_159 : memref<1x128xi32, #tpu.memory_space<vmem>> -> memref<128xi32, #tpu.memory_space<vmem>>
    %dma_wait3A_161 = arith.constant 0 : i32
    %dma_wait3A_162 = arith.constant 0 : i32
    %dma_wait3A_163 = tpu.memref_slice %arg2[%dma_wait3A_161, %dma_wait3A_162] : memref<4096x128xi32, #tpu.memory_space<hbm>> -> memref<4096x128xi32, #tpu.memory_space<hbm>>
    tpu.wait_indirect_dma semaphore(%arg9 : memref<!tpu.dma_semaphore, #tpu.memory_space<semaphore_mem>>) src(%dma_wait3A_163 : memref<4096x128xi32, #tpu.memory_space<hbm>>) dst(%arg6 : memref<128x128xi32, #tpu.memory_space<vmem>>)
    %add3A_164 = arith.constant 768 : i32
    %add3A_165 = arith.addi %mul3A_2, %add3A_164 : i32
    %dma_start3A_166 = arith.constant 0 : i32
    %dma_start3A_167 = tpu.memref_slice %arg4[%add3A_165, %dma_start3A_166] : memref<32768x128xi32, #tpu.memory_space<hbm>> -> memref<128x128xi32, #tpu.memory_space<hbm>>
    %dma_start3A_168 = arith.constant 0 : i32
    %dma_start3A_169 = tpu.memref_slice %arg4[%add3A_165, %dma_start3A_168] : memref<32768x128xi32, #tpu.memory_space<hbm>> -> memref<128x128xi32, #tpu.memory_space<hbm>>
    tpu.enqueue_dma source(%arg6 : memref<128x128xi32, #tpu.memory_space<vmem>>) target(%dma_start3A_169 : memref<128x128xi32, #tpu.memory_space<hbm>>) target_semaphore(%arg12 : memref<!tpu.dma_semaphore, #tpu.memory_space<semaphore_mem>>)
    %dma_wait3A_170 = arith.constant 7 : i32
    %dma_wait3A_171 = arith.constant 0 : i32
    %dma_wait3A_172 = tpu.memref_slice %arg5[%dma_wait3A_170, %dma_wait3A_171] : memref<8x128xi32, #tpu.memory_space<vmem>> -> memref<1x128xi32, #tpu.memory_space<vmem>>
    %dma_wait3A_173 = tpu.memref_squeeze %dma_wait3A_172 : memref<1x128xi32, #tpu.memory_space<vmem>> -> memref<128xi32, #tpu.memory_space<vmem>>
    %dma_wait3A_174 = arith.constant 0 : i32
    %dma_wait3A_175 = arith.constant 0 : i32
    %dma_wait3A_176 = tpu.memref_slice %arg2[%dma_wait3A_174, %dma_wait3A_175] : memref<4096x128xi32, #tpu.memory_space<hbm>> -> memref<4096x128xi32, #tpu.memory_space<hbm>>
    tpu.wait_indirect_dma semaphore(%arg10 : memref<!tpu.dma_semaphore, #tpu.memory_space<semaphore_mem>>) src(%dma_wait3A_176 : memref<4096x128xi32, #tpu.memory_space<hbm>>) dst(%arg7 : memref<128x128xi32, #tpu.memory_space<vmem>>)
    %add3A_177 = arith.constant 896 : i32
    %add3A_178 = arith.addi %mul3A_2, %add3A_177 : i32
    %dma_start3A_179 = arith.constant 0 : i32
    %dma_start3A_180 = tpu.memref_slice %arg4[%add3A_178, %dma_start3A_179] : memref<32768x128xi32, #tpu.memory_space<hbm>> -> memref<128x128xi32, #tpu.memory_space<hbm>>
    %dma_start3A_181 = arith.constant 0 : i32
    %dma_start3A_182 = tpu.memref_slice %arg4[%add3A_178, %dma_start3A_181] : memref<32768x128xi32, #tpu.memory_space<hbm>> -> memref<128x128xi32, #tpu.memory_space<hbm>>
    tpu.enqueue_dma source(%arg7 : memref<128x128xi32, #tpu.memory_space<vmem>>) target(%dma_start3A_182 : memref<128x128xi32, #tpu.memory_space<hbm>>) target_semaphore(%arg13 : memref<!tpu.dma_semaphore, #tpu.memory_space<semaphore_mem>>)
    %dma_wait3A_183 = arith.constant 0 : i32
    %dma_wait3A_184 = tpu.memref_slice %arg4[%add3A_152, %dma_wait3A_183] : memref<32768x128xi32, #tpu.memory_space<hbm>> -> memref<128x128xi32, #tpu.memory_space<hbm>>
    %dma_wait3A_185 = arith.constant 0 : i32
    %dma_wait3A_186 = tpu.memref_slice %arg4[%add3A_152, %dma_wait3A_185] : memref<32768x128xi32, #tpu.memory_space<hbm>> -> memref<128x128xi32, #tpu.memory_space<hbm>>
    tpu.wait_dma2 semaphore(%arg14 : memref<!tpu.dma_semaphore, #tpu.memory_space<semaphore_mem>>) src(%arg8 : memref<128x128xi32, #tpu.memory_space<vmem>>) dst(%dma_wait3A_186 : memref<128x128xi32, #tpu.memory_space<hbm>>)
    %dma_wait3A_187 = arith.constant 0 : i32
    %dma_wait3A_188 = tpu.memref_slice %arg4[%add3A_165, %dma_wait3A_187] : memref<32768x128xi32, #tpu.memory_space<hbm>> -> memref<128x128xi32, #tpu.memory_space<hbm>>
    %dma_wait3A_189 = arith.constant 0 : i32
    %dma_wait3A_190 = tpu.memref_slice %arg4[%add3A_165, %dma_wait3A_189] : memref<32768x128xi32, #tpu.memory_space<hbm>> -> memref<128x128xi32, #tpu.memory_space<hbm>>
    tpu.wait_dma2 semaphore(%arg12 : memref<!tpu.dma_semaphore, #tpu.memory_space<semaphore_mem>>) src(%arg6 : memref<128x128xi32, #tpu.memory_space<vmem>>) dst(%dma_wait3A_190 : memref<128x128xi32, #tpu.memory_space<hbm>>)
    %dma_wait3A_191 = arith.constant 0 : i32
    %dma_wait3A_192 = tpu.memref_slice %arg4[%add3A_178, %dma_wait3A_191] : memref<32768x128xi32, #tpu.memory_space<hbm>> -> memref<128x128xi32, #tpu.memory_space<hbm>>
    %dma_wait3A_193 = arith.constant 0 : i32
    %dma_wait3A_194 = tpu.memref_slice %arg4[%add3A_178, %dma_wait3A_193] : memref<32768x128xi32, #tpu.memory_space<hbm>> -> memref<128x128xi32, #tpu.memory_space<hbm>>
    tpu.wait_dma2 semaphore(%arg13 : memref<!tpu.dma_semaphore, #tpu.memory_space<semaphore_mem>>) src(%arg7 : memref<128x128xi32, #tpu.memory_space<vmem>>) dst(%dma_wait3A_194 : memref<128x128xi32, #tpu.memory_space<hbm>>)
    return
  }
}

module attributes {stable_mosaic.version = 14 : i64} {
  func.func @_knn_body(%arg0: i32, %arg1: memref<512x2xf32, #tpu.memory_space<vmem>>, %arg2: memref<2x1024xf32, #tpu.memory_space<vmem>>, %arg3: memref<1x128xf32, #tpu.memory_space<vmem>>, %arg4: memref<512x16xf32, #tpu.memory_space<vmem>>, %arg5: memref<4x512x16xi32, #tpu.memory_space<vmem>>, %arg6: memref<512x1024xf32, #tpu.memory_space<vmem>>) attributes {dimension_semantics = [#tpu.dimension_semantics<arbitrary>], iteration_bounds = array<i64: 1>, scalar_prefetch = 0 : i64, scratch_operands = 1 : i64, tpu.core_type = #tpu.core_type<tc>, window_params = [{transform_indices = @transform_0, window_bounds = array<i64: 512, 2>}, {pipeline_mode = #tpu.pipeline_mode<synchronous>, transform_indices = @transform_1, window_bounds = array<i64: 2, 1024>}, {pipeline_mode = #tpu.pipeline_mode<synchronous>, transform_indices = @transform_2, window_bounds = array<i64: 1, 128>}, {pipeline_mode = #tpu.pipeline_mode<synchronous>, transform_indices = @transform_3, window_bounds = array<i64: 512, 16>}, {pipeline_mode = #tpu.pipeline_mode<synchronous>, transform_indices = @transform_4, window_bounds = array<i64: 4, 512, 16>}]} {
    %get3A = arith.constant 0 : index
    %get3A_0 = arith.constant 0 : index
    %get3A_1 = vector.load %arg1[%get3A, %get3A_0] : memref<512x2xf32, #tpu.memory_space<vmem>>, vector<512x1xf32>
    %get3A_2 = arith.constant 0 : index
    %get3A_3 = arith.constant 1 : index
    %get3A_4 = vector.load %arg1[%get3A_2, %get3A_3] : memref<512x2xf32, #tpu.memory_space<vmem>>, vector<512x1xf32>
    %get3A_5 = arith.constant 0 : index
    %get3A_6 = arith.constant 0 : index
    %get3A_7 = vector.load %arg2[%get3A_5, %get3A_6] : memref<2x1024xf32, #tpu.memory_space<vmem>>, vector<1x1024xf32>
    %get3A_8 = arith.constant 1 : index
    %get3A_9 = arith.constant 0 : index
    %get3A_10 = vector.load %arg2[%get3A_8, %get3A_9] : memref<2x1024xf32, #tpu.memory_space<vmem>>, vector<1x1024xf32>
    %mul3A = arith.mulf %get3A_1, %get3A_1 : vector<512x1xf32>
    %mul3A_11 = arith.mulf %get3A_4, %get3A_4 : vector<512x1xf32>
    %add3A = arith.addf %mul3A, %mul3A_11 : vector<512x1xf32>
    %mul3A_12 = arith.mulf %get3A_7, %get3A_7 : vector<1x1024xf32>
    %mul3A_13 = arith.mulf %get3A_10, %get3A_10 : vector<1x1024xf32>
    %add3A_14 = arith.addf %mul3A_12, %mul3A_13 : vector<1x1024xf32>
    %convert_element_type3A = arith.truncf %get3A_1 : vector<512x1xf32> to vector<512x1xbf16>
    %convert_element_type3A_15 = arith.extf %convert_element_type3A : vector<512x1xbf16> to vector<512x1xf32>
    %convert_element_type3A_16 = arith.truncf %get3A_4 : vector<512x1xf32> to vector<512x1xbf16>
    %convert_element_type3A_17 = arith.extf %convert_element_type3A_16 : vector<512x1xbf16> to vector<512x1xf32>
    %convert_element_type3A_18 = arith.truncf %get3A_7 : vector<1x1024xf32> to vector<1x1024xbf16>
    %convert_element_type3A_19 = arith.extf %convert_element_type3A_18 : vector<1x1024xbf16> to vector<1x1024xf32>
    %convert_element_type3A_20 = arith.truncf %get3A_10 : vector<1x1024xf32> to vector<1x1024xbf16>
    %convert_element_type3A_21 = arith.extf %convert_element_type3A_20 : vector<1x1024xbf16> to vector<1x1024xf32>
    %mul3A_22 = vector.broadcast %convert_element_type3A_15 : vector<512x1xf32> to vector<512x1024xf32>
    %mul3A_23 = vector.broadcast %convert_element_type3A_19 : vector<1x1024xf32> to vector<512x1024xf32>
    %mul3A_24 = arith.mulf %mul3A_22, %mul3A_23 : vector<512x1024xf32>
    %mul3A_25 = vector.broadcast %convert_element_type3A_17 : vector<512x1xf32> to vector<512x1024xf32>
    %mul3A_26 = vector.broadcast %convert_element_type3A_21 : vector<1x1024xf32> to vector<512x1024xf32>
    %mul3A_27 = arith.mulf %mul3A_25, %mul3A_26 : vector<512x1024xf32>
    %add3A_28 = arith.addf %mul3A_24, %mul3A_27 : vector<512x1024xf32>
    %add3A_29 = vector.broadcast %add3A : vector<512x1xf32> to vector<512x1024xf32>
    %add3A_30 = vector.broadcast %add3A_14 : vector<1x1024xf32> to vector<512x1024xf32>
    %add3A_31 = arith.addf %add3A_29, %add3A_30 : vector<512x1024xf32>
    %mul3A_32 = arith.constant 2.000000e+00 : f32
    %mul3A_33 = vector.broadcast %mul3A_32 : f32 to vector<512x1024xf32>
    %mul3A_34 = arith.mulf %mul3A_33, %add3A_28 : vector<512x1024xf32>
    %sub3A = arith.subf %add3A_31, %mul3A_34 : vector<512x1024xf32>
    %jit3A = arith.constant 0.000000e+00 : f32
    %max3A = vector.broadcast %jit3A : f32 to vector<512x1024xf32>
    %max3A_35 = arith.maximumf %max3A, %sub3A : vector<512x1024xf32>
    %iota3A = tpu.iota {dimensions = array<i32: 1>} : vector<512x1024xi32>
    %iota3A_36 = tpu.iota {dimensions = array<i32: 0>} : vector<512x1024xi32>
    %add3A_37 = arith.constant 512 : i32
    %add3A_38 = vector.broadcast %add3A_37 : i32 to vector<512x1024xi32>
    %add3A_39 = arith.addi %iota3A_36, %add3A_38 : vector<512x1024xi32>
    %eq3A = arith.cmpi eq, %add3A_39, %iota3A : vector<512x1024xi32>
    %jit3A_40 = arith.constant 0x7F800000 : f32
    %broadcast_in_dim3A = vector.broadcast %jit3A_40 : f32 to vector<512x1024xf32>
    %select_n3A = arith.select %eq3A, %broadcast_in_dim3A, %max3A_35 : vector<512x1024xi1>, vector<512x1024xf32>
    %swap3A = arith.constant 0 : index
    %swap3A_41 = arith.constant 0 : index
    %swap3A_42 = vector.load %arg6[%swap3A, %swap3A_41] : memref<512x1024xf32, #tpu.memory_space<vmem>>, vector<512x1024xf32>
    tpu.vector_store %arg6[%swap3A, %swap3A_41], %select_n3A {strides = array<i32>} : memref<512x1024xf32, #tpu.memory_space<vmem>>, vector<512x1024xf32>,
    %iota3A_43 = tpu.iota {dimensions = array<i32: 1>} : vector<512x16xi32>
    %broadcast_in_dim3A_44 = arith.constant 0.000000e+00 : f32
    %broadcast_in_dim3A_45 = vector.broadcast %broadcast_in_dim3A_44 : f32 to vector<512x16xf32>
    %broadcast_in_dim3A_46 = arith.constant 0 : i32
    %broadcast_in_dim3A_47 = vector.broadcast %broadcast_in_dim3A_46 : i32 to vector<512x16xi32>
    %scan3A = arith.constant 0 : i32
    %scan3A_48 = arith.constant 16 : i32
    %scan3A_49 = arith.addi %scan3A, %scan3A_48 : i32
    %scan3A_50 = arith.constant 1 : i32
    %scan3A_51:2 = scf.for %scan3A_119 = %scan3A to %scan3A_49 step %scan3A_50 iter_args(%scan3A_120 = %broadcast_in_dim3A_45, %scan3A_121 = %broadcast_in_dim3A_47) -> (vector<512x16xf32>, vector<512x16xi32>)  : i32 {
      %get3A_122 = arith.constant 0 : index
      %get3A_123 = arith.constant 0 : index
      %get3A_124 = vector.load %arg6[%get3A_122, %get3A_123] : memref<512x1024xf32, #tpu.memory_space<vmem>>, vector<512x1024xf32>
      %reduce_min3A = arith.constant dense<0x7F800000> : vector<512xf32>
      %reduce_min3A_125 = vector.multi_reduction <minimumf>, %get3A_124, %reduce_min3A [1] : vector<512x1024xf32> to vector<512xf32>
      %broadcast_in_dim3A_126 = vector.shape_cast %reduce_min3A_125 : vector<512xf32> to vector<512x1xf32>
      %eq3A_127 = vector.broadcast %broadcast_in_dim3A_126 : vector<512x1xf32> to vector<512x1024xf32>
      %eq3A_128 = arith.cmpf oeq, %get3A_124, %eq3A_127 : vector<512x1024xf32>
      %jit3A_129 = arith.constant 1024 : i32
      %broadcast_in_dim3A_130 = vector.broadcast %jit3A_129 : i32 to vector<512x1024xi32>
      %select_n3A_131 = arith.select %eq3A_128, %iota3A, %broadcast_in_dim3A_130 : vector<512x1024xi1>, vector<512x1024xi32>
      %reduce_min3A_132 = arith.constant dense<2147483647> : vector<512xi32>
      %reduce_min3A_133 = vector.multi_reduction <minsi>, %select_n3A_131, %reduce_min3A_132 [1] : vector<512x1024xi32> to vector<512xi32>
      %broadcast_in_dim3A_134 = vector.shape_cast %reduce_min3A_133 : vector<512xi32> to vector<512x1xi32>
      %eq3A_135 = vector.broadcast %scan3A_119 : i32 to vector<512x16xi32>
      %eq3A_136 = arith.cmpi eq, %iota3A_43, %eq3A_135 : vector<512x16xi32>
      %broadcast_in_dim3A_137 = vector.shape_cast %broadcast_in_dim3A_126 : vector<512x1xf32> to vector<512x1xf32>
      %broadcast_in_dim3A_138 = vector.broadcast %broadcast_in_dim3A_137 : vector<512x1xf32> to vector<512x16xf32>
      %select_n3A_139 = arith.select %eq3A_136, %broadcast_in_dim3A_138, %scan3A_120 : vector<512x16xi1>, vector<512x16xf32>
      %eq3A_140 = vector.broadcast %scan3A_119 : i32 to vector<512x16xi32>
      %eq3A_141 = arith.cmpi eq, %iota3A_43, %eq3A_140 : vector<512x16xi32>
      %broadcast_in_dim3A_142 = vector.shape_cast %broadcast_in_dim3A_134 : vector<512x1xi32> to vector<512x1xi32>
      %broadcast_in_dim3A_143 = vector.broadcast %broadcast_in_dim3A_142 : vector<512x1xi32> to vector<512x16xi32>
      %select_n3A_144 = arith.select %eq3A_141, %broadcast_in_dim3A_143, %scan3A_121 : vector<512x16xi1>, vector<512x16xi32>
      %eq3A_145 = vector.broadcast %broadcast_in_dim3A_134 : vector<512x1xi32> to vector<512x1024xi32>
      %eq3A_146 = arith.cmpi eq, %iota3A, %eq3A_145 : vector<512x1024xi32>
      %jit3A_147 = arith.constant 0x7F800000 : f32
      %broadcast_in_dim3A_148 = vector.broadcast %jit3A_147 : f32 to vector<512x1024xf32>
      %select_n3A_149 = arith.select %eq3A_146, %broadcast_in_dim3A_148, %get3A_124 : vector<512x1024xi1>, vector<512x1024xf32>
      %swap3A_150 = arith.constant 0 : index
      %swap3A_151 = arith.constant 0 : index
      %swap3A_152 = vector.load %arg6[%swap3A_150, %swap3A_151] : memref<512x1024xf32, #tpu.memory_space<vmem>>, vector<512x1024xf32>
      tpu.vector_store %arg6[%swap3A_150, %swap3A_151], %select_n3A_149 {strides = array<i32>} : memref<512x1024xf32, #tpu.memory_space<vmem>>, vector<512x1024xf32>,
      scf.yield %select_n3A_139, %select_n3A_144 : vector<512x16xf32>, vector<512x16xi32>
    }
    %scan3A_52 = arith.constant 16 : i32
    %add3A_53 = arith.constant 9.99999971E-10 : f32
    %add3A_54 = vector.broadcast %add3A_53 : f32 to vector<512x16xf32>
    %add3A_55 = arith.addf %scan3A_51#0, %add3A_54 : vector<512x16xf32>
    %sqrt3A = math.sqrt %add3A_55 : vector<512x16xf32>
    %reduce_sum3A = arith.constant dense<0.000000e+00> : vector<512xf32>
    %reduce_sum3A_56 = vector.multi_reduction <add>, %sqrt3A, %reduce_sum3A [1] : vector<512x16xf32> to vector<512xf32>
    %broadcast_in_dim3A_57 = vector.shape_cast %reduce_sum3A_56 : vector<512xf32> to vector<512x1xf32>
    %mul3A_58 = arith.constant 6.250000e-02 : f32
    %mul3A_59 = vector.broadcast %mul3A_58 : f32 to vector<512x1xf32>
    %mul3A_60 = arith.mulf %broadcast_in_dim3A_57, %mul3A_59 : vector<512x1xf32>
    %max3A_61 = arith.constant 1.1920929E-7 : f32
    %max3A_62 = vector.broadcast %max3A_61 : f32 to vector<512x1xf32>
    %max3A_63 = arith.maximumf %mul3A_60, %max3A_62 : vector<512x1xf32>
    %get3A_64 = arith.constant 0 : index
    %get3A_65 = arith.constant 0 : index
    %get3A_66 = vector.load %arg3[%get3A_64, %get3A_65] : memref<1x128xf32, #tpu.memory_space<vmem>>, vector<1x1xf32>
    %get3A_67 = vector.extract %get3A_66[0, 0] : f32 from vector<1x1xf32>
    %max3A_68 = arith.constant 9.99999974E-5 : f32
    %max3A_69 = arith.maximumf %get3A_67, %max3A_68 : f32
    %div3A = vector.broadcast %max3A_63 : vector<512x1xf32> to vector<512x16xf32>
    %div3A_70 = arith.divf %sqrt3A, %div3A : vector<512x16xf32>
    %neg3A = arith.constant 0.000000e+00 : f32
    %neg3A_71 = vector.broadcast %neg3A : f32 to vector<512x16xf32>
    %neg3A_72 = arith.subf %neg3A_71, %div3A_70 : vector<512x16xf32>
    %div3A_73 = vector.broadcast %max3A_69 : f32 to vector<512x16xf32>
    %div3A_74 = arith.divf %neg3A_72, %div3A_73 : vector<512x16xf32>
    %jit3A_75 = arith.constant -1.000000e+01 : f32
    %jit3A_76 = arith.constant 0.000000e+00 : f32
    %max3A_77 = vector.broadcast %jit3A_75 : f32 to vector<512x16xf32>
    %max3A_78 = arith.maximumf %max3A_77, %div3A_74 : vector<512x16xf32>
    %min3A = vector.broadcast %jit3A_76 : f32 to vector<512x16xf32>
    %min3A_79 = arith.minimumf %min3A, %max3A_78 : vector<512x16xf32>
    %swap3A_80 = arith.constant 0 : index
    %swap3A_81 = arith.constant 0 : index
    %swap3A_82 = vector.load %arg4[%swap3A_80, %swap3A_81] : memref<512x16xf32, #tpu.memory_space<vmem>>, vector<512x16xf32>
    tpu.vector_store %arg4[%swap3A_80, %swap3A_81], %min3A_79 {strides = array<i32>} : memref<512x16xf32, #tpu.memory_space<vmem>>, vector<512x16xf32>,
    %add3A_83 = arith.constant 0 : i32
    %add3A_84 = vector.broadcast %add3A_83 : i32 to vector<512x16xi32>
    %add3A_85 = arith.addi %scan3A_51#1, %add3A_84 : vector<512x16xi32>
    %swap3A_86 = arith.constant 0 : index
    %swap3A_87 = arith.constant 0 : index
    %swap3A_88 = arith.constant 0 : index
    %swap3A_89 = vector.load %arg5[%swap3A_86, %swap3A_87, %swap3A_88] : memref<4x512x16xi32, #tpu.memory_space<vmem>>, vector<1x512x16xi32>
    %swap3A_90 = vector.shape_cast %swap3A_89 : vector<1x512x16xi32> to vector<512x16xi32>
    %swap3A_91 = vector.shape_cast %add3A_85 : vector<512x16xi32> to vector<1x512x16xi32>
    tpu.vector_store %arg5[%swap3A_86, %swap3A_87, %swap3A_88], %swap3A_91 {strides = array<i32>} : memref<4x512x16xi32, #tpu.memory_space<vmem>>, vector<1x512x16xi32>,
    %add3A_92 = arith.constant 1024 : i32
    %add3A_93 = vector.broadcast %add3A_92 : i32 to vector<512x16xi32>
    %add3A_94 = arith.addi %scan3A_51#1, %add3A_93 : vector<512x16xi32>
    %swap3A_95 = arith.constant 1 : index
    %swap3A_96 = arith.constant 0 : index
    %swap3A_97 = arith.constant 0 : index
    %swap3A_98 = vector.load %arg5[%swap3A_95, %swap3A_96, %swap3A_97] : memref<4x512x16xi32, #tpu.memory_space<vmem>>, vector<1x512x16xi32>
    %swap3A_99 = vector.shape_cast %swap3A_98 : vector<1x512x16xi32> to vector<512x16xi32>
    %swap3A_100 = vector.shape_cast %add3A_94 : vector<512x16xi32> to vector<1x512x16xi32>
    tpu.vector_store %arg5[%swap3A_95, %swap3A_96, %swap3A_97], %swap3A_100 {strides = array<i32>} : memref<4x512x16xi32, #tpu.memory_space<vmem>>, vector<1x512x16xi32>,
    %add3A_101 = arith.constant 2048 : i32
    %add3A_102 = vector.broadcast %add3A_101 : i32 to vector<512x16xi32>
    %add3A_103 = arith.addi %scan3A_51#1, %add3A_102 : vector<512x16xi32>
    %swap3A_104 = arith.constant 2 : index
    %swap3A_105 = arith.constant 0 : index
    %swap3A_106 = arith.constant 0 : index
    %swap3A_107 = vector.load %arg5[%swap3A_104, %swap3A_105, %swap3A_106] : memref<4x512x16xi32, #tpu.memory_space<vmem>>, vector<1x512x16xi32>
    %swap3A_108 = vector.shape_cast %swap3A_107 : vector<1x512x16xi32> to vector<512x16xi32>
    %swap3A_109 = vector.shape_cast %add3A_103 : vector<512x16xi32> to vector<1x512x16xi32>
    tpu.vector_store %arg5[%swap3A_104, %swap3A_105, %swap3A_106], %swap3A_109 {strides = array<i32>} : memref<4x512x16xi32, #tpu.memory_space<vmem>>, vector<1x512x16xi32>,
    %add3A_110 = arith.constant 3072 : i32
    %add3A_111 = vector.broadcast %add3A_110 : i32 to vector<512x16xi32>
    %add3A_112 = arith.addi %scan3A_51#1, %add3A_111 : vector<512x16xi32>
    %swap3A_113 = arith.constant 3 : index
    %swap3A_114 = arith.constant 0 : index
    %swap3A_115 = arith.constant 0 : index
    %swap3A_116 = vector.load %arg5[%swap3A_113, %swap3A_114, %swap3A_115] : memref<4x512x16xi32, #tpu.memory_space<vmem>>, vector<1x512x16xi32>
    %swap3A_117 = vector.shape_cast %swap3A_116 : vector<1x512x16xi32> to vector<512x16xi32>
    %swap3A_118 = vector.shape_cast %add3A_112 : vector<512x16xi32> to vector<1x512x16xi32>
    tpu.vector_store %arg5[%swap3A_113, %swap3A_114, %swap3A_115], %swap3A_118 {strides = array<i32>} : memref<4x512x16xi32, #tpu.memory_space<vmem>>, vector<1x512x16xi32>,
    return
  }
  func.func @transform_0(%arg0: i32) -> (i32, i32) {
    %c1_i32 = arith.constant 1 : i32
    %c0_i32 = arith.constant 0 : i32
    %c0_i32_0 = arith.constant 0 : i32
    return %c1_i32, %c0_i32 : i32, i32
  }
  func.func @transform_1(%arg0: i32) -> (i32, i32) {
    %c0_i32 = arith.constant 0 : i32
    %c0_i32_0 = arith.constant 0 : i32
    %c0_i32_1 = arith.constant 0 : i32
    return %c0_i32, %c0_i32_0 : i32, i32
  }
  func.func @transform_2(%arg0: i32) -> (i32, i32) {
    %c0_i32 = arith.constant 0 : i32
    %c0_i32_0 = arith.constant 0 : i32
    %c0_i32_1 = arith.constant 0 : i32
    return %c0_i32, %c0_i32_0 : i32, i32
  }
  func.func @transform_3(%arg0: i32) -> (i32, i32) {
    %c0_i32 = arith.constant 0 : i32
    %c0_i32_0 = arith.constant 0 : i32
    %c0_i32_1 = arith.constant 0 : i32
    return %c0_i32, %c0_i32_0 : i32, i32
  }
  func.func @transform_4(%arg0: i32) -> (i32, i32, i32) {
    %c0_i32 = arith.constant 0 : i32
    %c0_i32_0 = arith.constant 0 : i32
    %c0_i32_1 = arith.constant 0 : i32
    %c0_i32_2 = arith.constant 0 : i32
    return %c0_i32, %c0_i32_0, %c0_i32_1 : i32, i32, i32
  }
}

module attributes {stable_mosaic.version = 14 : i64} {
  func.func @_knn_body(%arg0: i32, %arg1: memref<512x2xf32, #tpu.memory_space<vmem>>, %arg2: memref<2x1024xf32, #tpu.memory_space<vmem>>, %arg3: memref<1x128xf32, #tpu.memory_space<vmem>>, %arg4: memref<512x16xf32, #tpu.memory_space<vmem>>, %arg5: memref<4x512x16xi32, #tpu.memory_space<vmem>>, %arg6: memref<512x1024xf32, #tpu.memory_space<vmem>>) attributes {dimension_semantics = [#tpu.dimension_semantics<arbitrary>], iteration_bounds = array<i64: 1>, scalar_prefetch = 0 : i64, scratch_operands = 1 : i64, tpu.core_type = #tpu.core_type<tc>, window_params = [{transform_indices = @transform_0, window_bounds = array<i64: 512, 2>}, {pipeline_mode = #tpu.pipeline_mode<synchronous>, transform_indices = @transform_1, window_bounds = array<i64: 2, 1024>}, {pipeline_mode = #tpu.pipeline_mode<synchronous>, transform_indices = @transform_2, window_bounds = array<i64: 1, 128>}, {pipeline_mode = #tpu.pipeline_mode<synchronous>, transform_indices = @transform_3, window_bounds = array<i64: 512, 16>}, {pipeline_mode = #tpu.pipeline_mode<synchronous>, transform_indices = @transform_4, window_bounds = array<i64: 4, 512, 16>}]} {
    %get3A = arith.constant 0 : index
    %get3A_0 = arith.constant 0 : index
    %get3A_1 = vector.load %arg1[%get3A, %get3A_0] : memref<512x2xf32, #tpu.memory_space<vmem>>, vector<512x1xf32>
    %get3A_2 = arith.constant 0 : index
    %get3A_3 = arith.constant 1 : index
    %get3A_4 = vector.load %arg1[%get3A_2, %get3A_3] : memref<512x2xf32, #tpu.memory_space<vmem>>, vector<512x1xf32>
    %get3A_5 = arith.constant 0 : index
    %get3A_6 = arith.constant 0 : index
    %get3A_7 = vector.load %arg2[%get3A_5, %get3A_6] : memref<2x1024xf32, #tpu.memory_space<vmem>>, vector<1x1024xf32>
    %get3A_8 = arith.constant 1 : index
    %get3A_9 = arith.constant 0 : index
    %get3A_10 = vector.load %arg2[%get3A_8, %get3A_9] : memref<2x1024xf32, #tpu.memory_space<vmem>>, vector<1x1024xf32>
    %mul3A = arith.mulf %get3A_1, %get3A_1 : vector<512x1xf32>
    %mul3A_11 = arith.mulf %get3A_4, %get3A_4 : vector<512x1xf32>
    %add3A = arith.addf %mul3A, %mul3A_11 : vector<512x1xf32>
    %mul3A_12 = arith.mulf %get3A_7, %get3A_7 : vector<1x1024xf32>
    %mul3A_13 = arith.mulf %get3A_10, %get3A_10 : vector<1x1024xf32>
    %add3A_14 = arith.addf %mul3A_12, %mul3A_13 : vector<1x1024xf32>
    %convert_element_type3A = arith.truncf %get3A_1 : vector<512x1xf32> to vector<512x1xbf16>
    %convert_element_type3A_15 = arith.extf %convert_element_type3A : vector<512x1xbf16> to vector<512x1xf32>
    %convert_element_type3A_16 = arith.truncf %get3A_4 : vector<512x1xf32> to vector<512x1xbf16>
    %convert_element_type3A_17 = arith.extf %convert_element_type3A_16 : vector<512x1xbf16> to vector<512x1xf32>
    %convert_element_type3A_18 = arith.truncf %get3A_7 : vector<1x1024xf32> to vector<1x1024xbf16>
    %convert_element_type3A_19 = arith.extf %convert_element_type3A_18 : vector<1x1024xbf16> to vector<1x1024xf32>
    %convert_element_type3A_20 = arith.truncf %get3A_10 : vector<1x1024xf32> to vector<1x1024xbf16>
    %convert_element_type3A_21 = arith.extf %convert_element_type3A_20 : vector<1x1024xbf16> to vector<1x1024xf32>
    %mul3A_22 = vector.broadcast %convert_element_type3A_15 : vector<512x1xf32> to vector<512x1024xf32>
    %mul3A_23 = vector.broadcast %convert_element_type3A_19 : vector<1x1024xf32> to vector<512x1024xf32>
    %mul3A_24 = arith.mulf %mul3A_22, %mul3A_23 : vector<512x1024xf32>
    %mul3A_25 = vector.broadcast %convert_element_type3A_17 : vector<512x1xf32> to vector<512x1024xf32>
    %mul3A_26 = vector.broadcast %convert_element_type3A_21 : vector<1x1024xf32> to vector<512x1024xf32>
    %mul3A_27 = arith.mulf %mul3A_25, %mul3A_26 : vector<512x1024xf32>
    %add3A_28 = arith.addf %mul3A_24, %mul3A_27 : vector<512x1024xf32>
    %add3A_29 = vector.broadcast %add3A : vector<512x1xf32> to vector<512x1024xf32>
    %add3A_30 = vector.broadcast %add3A_14 : vector<1x1024xf32> to vector<512x1024xf32>
    %add3A_31 = arith.addf %add3A_29, %add3A_30 : vector<512x1024xf32>
    %mul3A_32 = arith.constant 2.000000e+00 : f32
    %mul3A_33 = vector.broadcast %mul3A_32 : f32 to vector<512x1024xf32>
    %mul3A_34 = arith.mulf %mul3A_33, %add3A_28 : vector<512x1024xf32>
    %sub3A = arith.subf %add3A_31, %mul3A_34 : vector<512x1024xf32>
    %jit3A = arith.constant 0.000000e+00 : f32
    %max3A = vector.broadcast %jit3A : f32 to vector<512x1024xf32>
    %max3A_35 = arith.maximumf %max3A, %sub3A : vector<512x1024xf32>
    %iota3A = tpu.iota {dimensions = array<i32: 1>} : vector<512x1024xi32>
    %iota3A_36 = tpu.iota {dimensions = array<i32: 0>} : vector<512x1024xi32>
    %add3A_37 = arith.constant 0 : i32
    %add3A_38 = vector.broadcast %add3A_37 : i32 to vector<512x1024xi32>
    %add3A_39 = arith.addi %iota3A_36, %add3A_38 : vector<512x1024xi32>
    %eq3A = arith.cmpi eq, %add3A_39, %iota3A : vector<512x1024xi32>
    %jit3A_40 = arith.constant 0x7F800000 : f32
    %broadcast_in_dim3A = vector.broadcast %jit3A_40 : f32 to vector<512x1024xf32>
    %select_n3A = arith.select %eq3A, %broadcast_in_dim3A, %max3A_35 : vector<512x1024xi1>, vector<512x1024xf32>
    %swap3A = arith.constant 0 : index
    %swap3A_41 = arith.constant 0 : index
    %swap3A_42 = vector.load %arg6[%swap3A, %swap3A_41] : memref<512x1024xf32, #tpu.memory_space<vmem>>, vector<512x1024xf32>
    tpu.vector_store %arg6[%swap3A, %swap3A_41], %select_n3A {strides = array<i32>} : memref<512x1024xf32, #tpu.memory_space<vmem>>, vector<512x1024xf32>,
    %iota3A_43 = tpu.iota {dimensions = array<i32: 1>} : vector<512x16xi32>
    %broadcast_in_dim3A_44 = arith.constant 0.000000e+00 : f32
    %broadcast_in_dim3A_45 = vector.broadcast %broadcast_in_dim3A_44 : f32 to vector<512x16xf32>
    %broadcast_in_dim3A_46 = arith.constant 0 : i32
    %broadcast_in_dim3A_47 = vector.broadcast %broadcast_in_dim3A_46 : i32 to vector<512x16xi32>
    %scan3A = arith.constant 0 : i32
    %scan3A_48 = arith.constant 16 : i32
    %scan3A_49 = arith.addi %scan3A, %scan3A_48 : i32
    %scan3A_50 = arith.constant 1 : i32
    %scan3A_51:2 = scf.for %scan3A_119 = %scan3A to %scan3A_49 step %scan3A_50 iter_args(%scan3A_120 = %broadcast_in_dim3A_45, %scan3A_121 = %broadcast_in_dim3A_47) -> (vector<512x16xf32>, vector<512x16xi32>)  : i32 {
      %get3A_122 = arith.constant 0 : index
      %get3A_123 = arith.constant 0 : index
      %get3A_124 = vector.load %arg6[%get3A_122, %get3A_123] : memref<512x1024xf32, #tpu.memory_space<vmem>>, vector<512x1024xf32>
      %reduce_min3A = arith.constant dense<0x7F800000> : vector<512xf32>
      %reduce_min3A_125 = vector.multi_reduction <minimumf>, %get3A_124, %reduce_min3A [1] : vector<512x1024xf32> to vector<512xf32>
      %broadcast_in_dim3A_126 = vector.shape_cast %reduce_min3A_125 : vector<512xf32> to vector<512x1xf32>
      %eq3A_127 = vector.broadcast %broadcast_in_dim3A_126 : vector<512x1xf32> to vector<512x1024xf32>
      %eq3A_128 = arith.cmpf oeq, %get3A_124, %eq3A_127 : vector<512x1024xf32>
      %jit3A_129 = arith.constant 1024 : i32
      %broadcast_in_dim3A_130 = vector.broadcast %jit3A_129 : i32 to vector<512x1024xi32>
      %select_n3A_131 = arith.select %eq3A_128, %iota3A, %broadcast_in_dim3A_130 : vector<512x1024xi1>, vector<512x1024xi32>
      %reduce_min3A_132 = arith.constant dense<2147483647> : vector<512xi32>
      %reduce_min3A_133 = vector.multi_reduction <minsi>, %select_n3A_131, %reduce_min3A_132 [1] : vector<512x1024xi32> to vector<512xi32>
      %broadcast_in_dim3A_134 = vector.shape_cast %reduce_min3A_133 : vector<512xi32> to vector<512x1xi32>
      %eq3A_135 = vector.broadcast %scan3A_119 : i32 to vector<512x16xi32>
      %eq3A_136 = arith.cmpi eq, %iota3A_43, %eq3A_135 : vector<512x16xi32>
      %broadcast_in_dim3A_137 = vector.shape_cast %broadcast_in_dim3A_126 : vector<512x1xf32> to vector<512x1xf32>
      %broadcast_in_dim3A_138 = vector.broadcast %broadcast_in_dim3A_137 : vector<512x1xf32> to vector<512x16xf32>
      %select_n3A_139 = arith.select %eq3A_136, %broadcast_in_dim3A_138, %scan3A_120 : vector<512x16xi1>, vector<512x16xf32>
      %eq3A_140 = vector.broadcast %scan3A_119 : i32 to vector<512x16xi32>
      %eq3A_141 = arith.cmpi eq, %iota3A_43, %eq3A_140 : vector<512x16xi32>
      %broadcast_in_dim3A_142 = vector.shape_cast %broadcast_in_dim3A_134 : vector<512x1xi32> to vector<512x1xi32>
      %broadcast_in_dim3A_143 = vector.broadcast %broadcast_in_dim3A_142 : vector<512x1xi32> to vector<512x16xi32>
      %select_n3A_144 = arith.select %eq3A_141, %broadcast_in_dim3A_143, %scan3A_121 : vector<512x16xi1>, vector<512x16xi32>
      %eq3A_145 = vector.broadcast %broadcast_in_dim3A_134 : vector<512x1xi32> to vector<512x1024xi32>
      %eq3A_146 = arith.cmpi eq, %iota3A, %eq3A_145 : vector<512x1024xi32>
      %jit3A_147 = arith.constant 0x7F800000 : f32
      %broadcast_in_dim3A_148 = vector.broadcast %jit3A_147 : f32 to vector<512x1024xf32>
      %select_n3A_149 = arith.select %eq3A_146, %broadcast_in_dim3A_148, %get3A_124 : vector<512x1024xi1>, vector<512x1024xf32>
      %swap3A_150 = arith.constant 0 : index
      %swap3A_151 = arith.constant 0 : index
      %swap3A_152 = vector.load %arg6[%swap3A_150, %swap3A_151] : memref<512x1024xf32, #tpu.memory_space<vmem>>, vector<512x1024xf32>
      tpu.vector_store %arg6[%swap3A_150, %swap3A_151], %select_n3A_149 {strides = array<i32>} : memref<512x1024xf32, #tpu.memory_space<vmem>>, vector<512x1024xf32>,
      scf.yield %select_n3A_139, %select_n3A_144 : vector<512x16xf32>, vector<512x16xi32>
    }
    %scan3A_52 = arith.constant 16 : i32
    %add3A_53 = arith.constant 9.99999971E-10 : f32
    %add3A_54 = vector.broadcast %add3A_53 : f32 to vector<512x16xf32>
    %add3A_55 = arith.addf %scan3A_51#0, %add3A_54 : vector<512x16xf32>
    %sqrt3A = math.sqrt %add3A_55 : vector<512x16xf32>
    %reduce_sum3A = arith.constant dense<0.000000e+00> : vector<512xf32>
    %reduce_sum3A_56 = vector.multi_reduction <add>, %sqrt3A, %reduce_sum3A [1] : vector<512x16xf32> to vector<512xf32>
    %broadcast_in_dim3A_57 = vector.shape_cast %reduce_sum3A_56 : vector<512xf32> to vector<512x1xf32>
    %mul3A_58 = arith.constant 6.250000e-02 : f32
    %mul3A_59 = vector.broadcast %mul3A_58 : f32 to vector<512x1xf32>
    %mul3A_60 = arith.mulf %broadcast_in_dim3A_57, %mul3A_59 : vector<512x1xf32>
    %max3A_61 = arith.constant 1.1920929E-7 : f32
    %max3A_62 = vector.broadcast %max3A_61 : f32 to vector<512x1xf32>
    %max3A_63 = arith.maximumf %mul3A_60, %max3A_62 : vector<512x1xf32>
    %get3A_64 = arith.constant 0 : index
    %get3A_65 = arith.constant 0 : index
    %get3A_66 = vector.load %arg3[%get3A_64, %get3A_65] : memref<1x128xf32, #tpu.memory_space<vmem>>, vector<1x1xf32>
    %get3A_67 = vector.extract %get3A_66[0, 0] : f32 from vector<1x1xf32>
    %max3A_68 = arith.constant 9.99999974E-5 : f32
    %max3A_69 = arith.maximumf %get3A_67, %max3A_68 : f32
    %div3A = vector.broadcast %max3A_63 : vector<512x1xf32> to vector<512x16xf32>
    %div3A_70 = arith.divf %sqrt3A, %div3A : vector<512x16xf32>
    %neg3A = arith.constant 0.000000e+00 : f32
    %neg3A_71 = vector.broadcast %neg3A : f32 to vector<512x16xf32>
    %neg3A_72 = arith.subf %neg3A_71, %div3A_70 : vector<512x16xf32>
    %div3A_73 = vector.broadcast %max3A_69 : f32 to vector<512x16xf32>
    %div3A_74 = arith.divf %neg3A_72, %div3A_73 : vector<512x16xf32>
    %jit3A_75 = arith.constant -1.000000e+01 : f32
    %jit3A_76 = arith.constant 0.000000e+00 : f32
    %max3A_77 = vector.broadcast %jit3A_75 : f32 to vector<512x16xf32>
    %max3A_78 = arith.maximumf %max3A_77, %div3A_74 : vector<512x16xf32>
    %min3A = vector.broadcast %jit3A_76 : f32 to vector<512x16xf32>
    %min3A_79 = arith.minimumf %min3A, %max3A_78 : vector<512x16xf32>
    %swap3A_80 = arith.constant 0 : index
    %swap3A_81 = arith.constant 0 : index
    %swap3A_82 = vector.load %arg4[%swap3A_80, %swap3A_81] : memref<512x16xf32, #tpu.memory_space<vmem>>, vector<512x16xf32>
    tpu.vector_store %arg4[%swap3A_80, %swap3A_81], %min3A_79 {strides = array<i32>} : memref<512x16xf32, #tpu.memory_space<vmem>>, vector<512x16xf32>,
    %add3A_83 = arith.constant 0 : i32
    %add3A_84 = vector.broadcast %add3A_83 : i32 to vector<512x16xi32>
    %add3A_85 = arith.addi %scan3A_51#1, %add3A_84 : vector<512x16xi32>
    %swap3A_86 = arith.constant 0 : index
    %swap3A_87 = arith.constant 0 : index
    %swap3A_88 = arith.constant 0 : index
    %swap3A_89 = vector.load %arg5[%swap3A_86, %swap3A_87, %swap3A_88] : memref<4x512x16xi32, #tpu.memory_space<vmem>>, vector<1x512x16xi32>
    %swap3A_90 = vector.shape_cast %swap3A_89 : vector<1x512x16xi32> to vector<512x16xi32>
    %swap3A_91 = vector.shape_cast %add3A_85 : vector<512x16xi32> to vector<1x512x16xi32>
    tpu.vector_store %arg5[%swap3A_86, %swap3A_87, %swap3A_88], %swap3A_91 {strides = array<i32>} : memref<4x512x16xi32, #tpu.memory_space<vmem>>, vector<1x512x16xi32>,
    %add3A_92 = arith.constant 1024 : i32
    %add3A_93 = vector.broadcast %add3A_92 : i32 to vector<512x16xi32>
    %add3A_94 = arith.addi %scan3A_51#1, %add3A_93 : vector<512x16xi32>
    %swap3A_95 = arith.constant 1 : index
    %swap3A_96 = arith.constant 0 : index
    %swap3A_97 = arith.constant 0 : index
    %swap3A_98 = vector.load %arg5[%swap3A_95, %swap3A_96, %swap3A_97] : memref<4x512x16xi32, #tpu.memory_space<vmem>>, vector<1x512x16xi32>
    %swap3A_99 = vector.shape_cast %swap3A_98 : vector<1x512x16xi32> to vector<512x16xi32>
    %swap3A_100 = vector.shape_cast %add3A_94 : vector<512x16xi32> to vector<1x512x16xi32>
    tpu.vector_store %arg5[%swap3A_95, %swap3A_96, %swap3A_97], %swap3A_100 {strides = array<i32>} : memref<4x512x16xi32, #tpu.memory_space<vmem>>, vector<1x512x16xi32>,
    %add3A_101 = arith.constant 2048 : i32
    %add3A_102 = vector.broadcast %add3A_101 : i32 to vector<512x16xi32>
    %add3A_103 = arith.addi %scan3A_51#1, %add3A_102 : vector<512x16xi32>
    %swap3A_104 = arith.constant 2 : index
    %swap3A_105 = arith.constant 0 : index
    %swap3A_106 = arith.constant 0 : index
    %swap3A_107 = vector.load %arg5[%swap3A_104, %swap3A_105, %swap3A_106] : memref<4x512x16xi32, #tpu.memory_space<vmem>>, vector<1x512x16xi32>
    %swap3A_108 = vector.shape_cast %swap3A_107 : vector<1x512x16xi32> to vector<512x16xi32>
    %swap3A_109 = vector.shape_cast %add3A_103 : vector<512x16xi32> to vector<1x512x16xi32>
    tpu.vector_store %arg5[%swap3A_104, %swap3A_105, %swap3A_106], %swap3A_109 {strides = array<i32>} : memref<4x512x16xi32, #tpu.memory_space<vmem>>, vector<1x512x16xi32>,
    %add3A_110 = arith.constant 3072 : i32
    %add3A_111 = vector.broadcast %add3A_110 : i32 to vector<512x16xi32>
    %add3A_112 = arith.addi %scan3A_51#1, %add3A_111 : vector<512x16xi32>
    %swap3A_113 = arith.constant 3 : index
    %swap3A_114 = arith.constant 0 : index
    %swap3A_115 = arith.constant 0 : index
    %swap3A_116 = vector.load %arg5[%swap3A_113, %swap3A_114, %swap3A_115] : memref<4x512x16xi32, #tpu.memory_space<vmem>>, vector<1x512x16xi32>
    %swap3A_117 = vector.shape_cast %swap3A_116 : vector<1x512x16xi32> to vector<512x16xi32>
    %swap3A_118 = vector.shape_cast %add3A_112 : vector<512x16xi32> to vector<1x512x16xi32>
    tpu.vector_store %arg5[%swap3A_113, %swap3A_114, %swap3A_115], %swap3A_118 {strides = array<i32>} : memref<4x512x16xi32, #tpu.memory_space<vmem>>, vector<1x512x16xi32>,
    return
  }
  func.func @transform_0(%arg0: i32) -> (i32, i32) {
    %c0_i32 = arith.constant 0 : i32
    %c0_i32_0 = arith.constant 0 : i32
    %c0_i32_1 = arith.constant 0 : i32
    return %c0_i32, %c0_i32_0 : i32, i32
  }
  func.func @transform_1(%arg0: i32) -> (i32, i32) {
    %c0_i32 = arith.constant 0 : i32
    %c0_i32_0 = arith.constant 0 : i32
    %c0_i32_1 = arith.constant 0 : i32
    return %c0_i32, %c0_i32_0 : i32, i32
  }
  func.func @transform_2(%arg0: i32) -> (i32, i32) {
    %c0_i32 = arith.constant 0 : i32
    %c0_i32_0 = arith.constant 0 : i32
    %c0_i32_1 = arith.constant 0 : i32
    return %c0_i32, %c0_i32_0 : i32, i32
  }
  func.func @transform_3(%arg0: i32) -> (i32, i32) {
    %c0_i32 = arith.constant 0 : i32
    %c0_i32_0 = arith.constant 0 : i32
    %c0_i32_1 = arith.constant 0 : i32
    return %c0_i32, %c0_i32_0 : i32, i32
  }
  func.func @transform_4(%arg0: i32) -> (i32, i32, i32) {
    %c0_i32 = arith.constant 0 : i32
    %c0_i32_0 = arith.constant 0 : i32
    %c0_i32_1 = arith.constant 0 : i32
    %c0_i32_2 = arith.constant 0 : i32
    return %c0_i32, %c0_i32_0, %c0_i32_1 : i32, i32, i32
  }
}

module attributes {stable_mosaic.version = 14 : i64} {
  func.func @_proj_body(%arg0: i32, %arg1: memref<512x4x128xf32, #tpu.memory_space<vmem>>, %arg2: memref<128x128xf32, #tpu.memory_space<vmem>>, %arg3: memref<1x128xf32, #tpu.memory_space<vmem>>, %arg4: memref<128x128xf32, #tpu.memory_space<vmem>>, %arg5: memref<1x128xf32, #tpu.memory_space<vmem>>, %arg6: memref<128x128xf32, #tpu.memory_space<vmem>>, %arg7: memref<1x128xf32, #tpu.memory_space<vmem>>, %arg8: memref<512x128xf32, #tpu.memory_space<vmem>>, %arg9: memref<512x128xi32, #tpu.memory_space<vmem>>) attributes {dimension_semantics = [#tpu.dimension_semantics<arbitrary>], iteration_bounds = array<i64: 8>, scalar_prefetch = 0 : i64, scratch_operands = 0 : i64, tpu.core_type = #tpu.core_type<tc>, window_params = [{transform_indices = @transform_0, window_bounds = array<i64: 512, 4, 128>}, {pipeline_mode = #tpu.pipeline_mode<synchronous>, transform_indices = @transform_1, window_bounds = array<i64: 128, 128>}, {pipeline_mode = #tpu.pipeline_mode<synchronous>, transform_indices = @transform_2, window_bounds = array<i64: 1, 128>}, {pipeline_mode = #tpu.pipeline_mode<synchronous>, transform_indices = @transform_3, window_bounds = array<i64: 128, 128>}, {pipeline_mode = #tpu.pipeline_mode<synchronous>, transform_indices = @transform_4, window_bounds = array<i64: 1, 128>}, {pipeline_mode = #tpu.pipeline_mode<synchronous>, transform_indices = @transform_5, window_bounds = array<i64: 128, 128>}, {pipeline_mode = #tpu.pipeline_mode<synchronous>, transform_indices = @transform_6, window_bounds = array<i64: 1, 128>}, {transform_indices = @transform_7, window_bounds = array<i64: 512, 128>}, {transform_indices = @transform_8, window_bounds = array<i64: 512, 128>}]} {
    %get3A = arith.constant 0 : index
    %get3A_0 = arith.constant 3 : index
    %get3A_1 = arith.constant 0 : index
    %get3A_2 = vector.load %arg1[%get3A, %get3A_0, %get3A_1] : memref<512x4x128xf32, #tpu.memory_space<vmem>>, vector<512x1x128xf32>
    %get3A_3 = vector.shape_cast %get3A_2 : vector<512x1x128xf32> to vector<512x128xf32>
    %get3A_4 = arith.constant 0 : index
    %get3A_5 = arith.constant 0 : index
    %get3A_6 = arith.constant 0 : index
    %get3A_7 = vector.load %arg1[%get3A_4, %get3A_5, %get3A_6] : memref<512x4x128xf32, #tpu.memory_space<vmem>>, vector<512x1x128xf32>
    %get3A_8 = vector.shape_cast %get3A_7 : vector<512x1x128xf32> to vector<512x128xf32>
    %get3A_9 = arith.constant 0 : index
    %get3A_10 = arith.constant 1 : index
    %get3A_11 = arith.constant 0 : index
    %get3A_12 = vector.load %arg1[%get3A_9, %get3A_10, %get3A_11] : memref<512x4x128xf32, #tpu.memory_space<vmem>>, vector<512x1x128xf32>
    %get3A_13 = vector.shape_cast %get3A_12 : vector<512x1x128xf32> to vector<512x128xf32>
    %add3A = arith.addf %get3A_8, %get3A_13 : vector<512x128xf32>
    %get3A_14 = arith.constant 0 : index
    %get3A_15 = arith.constant 2 : index
    %get3A_16 = arith.constant 0 : index
    %get3A_17 = vector.load %arg1[%get3A_14, %get3A_15, %get3A_16] : memref<512x4x128xf32, #tpu.memory_space<vmem>>, vector<512x1x128xf32>
    %get3A_18 = vector.shape_cast %get3A_17 : vector<512x1x128xf32> to vector<512x128xf32>
    %add3A_19 = arith.addf %add3A, %get3A_18 : vector<512x128xf32>
    %get3A_20 = arith.constant 0 : index
    %get3A_21 = arith.constant 3 : index
    %get3A_22 = arith.constant 0 : index
    %get3A_23 = vector.load %arg1[%get3A_20, %get3A_21, %get3A_22] : memref<512x4x128xf32, #tpu.memory_space<vmem>>, vector<512x1x128xf32>
    %get3A_24 = vector.shape_cast %get3A_23 : vector<512x1x128xf32> to vector<512x128xf32>
    %add3A_25 = arith.addf %add3A_19, %get3A_24 : vector<512x128xf32>
    %mul3A = arith.constant 2.500000e-01 : f32
    %mul3A_26 = vector.broadcast %mul3A : f32 to vector<512x128xf32>
    %mul3A_27 = arith.mulf %add3A_25, %mul3A_26 : vector<512x128xf32>
    %get3A_28 = arith.constant 0 : index
    %get3A_29 = arith.constant 0 : index
    %get3A_30 = vector.load %arg2[%get3A_28, %get3A_29] : memref<128x128xf32, #tpu.memory_space<vmem>>, vector<128x128xf32>
    %dot_general3A = arith.constant dense<0.000000e+00> : vector<512x128xf32>
    %dot_general3A_31 = tpu.matmul %get3A_3, %get3A_30, %dot_general3A {dimension_numbers = #tpu.dot_dimension_numbers<[1], [0], [0], [1], [0, 0, 1, 1], [], []>, transpose_lhs_hint = false} : vector<512x128xf32>, vector<128x128xf32>, vector<512x128xf32> -> vector<512x128xf32>
    %get3A_32 = arith.constant 0 : index
    %get3A_33 = arith.constant 0 : index
    %get3A_34 = vector.load %arg3[%get3A_32, %get3A_33] : memref<1x128xf32, #tpu.memory_space<vmem>>, vector<1x128xf32>
    %add3A_35 = vector.broadcast %get3A_34 : vector<1x128xf32> to vector<512x128xf32>
    %add3A_36 = arith.addf %dot_general3A_31, %add3A_35 : vector<512x128xf32>
    %swap3A = arith.constant 0 : index
    %swap3A_37 = arith.constant 0 : index
    %swap3A_38 = vector.load %arg8[%swap3A, %swap3A_37] : memref<512x128xf32, #tpu.memory_space<vmem>>, vector<512x128xf32>
    tpu.vector_store %arg8[%swap3A, %swap3A_37], %add3A_36 {strides = array<i32>} : memref<512x128xf32, #tpu.memory_space<vmem>>, vector<512x128xf32>,
    %get3A_39 = arith.constant 0 : index
    %get3A_40 = arith.constant 0 : index
    %get3A_41 = vector.load %arg4[%get3A_39, %get3A_40] : memref<128x128xf32, #tpu.memory_space<vmem>>, vector<128x128xf32>
    %dot_general3A_42 = arith.constant dense<0.000000e+00> : vector<512x128xf32>
    %dot_general3A_43 = tpu.matmul %mul3A_27, %get3A_41, %dot_general3A_42 {dimension_numbers = #tpu.dot_dimension_numbers<[1], [0], [0], [1], [0, 0, 1, 1], [], []>, transpose_lhs_hint = false} : vector<512x128xf32>, vector<128x128xf32>, vector<512x128xf32> -> vector<512x128xf32>
    %get3A_44 = arith.constant 0 : index
    %get3A_45 = arith.constant 0 : index
    %get3A_46 = vector.load %arg5[%get3A_44, %get3A_45] : memref<1x128xf32, #tpu.memory_space<vmem>>, vector<1x128xf32>
    %add3A_47 = vector.broadcast %get3A_46 : vector<1x128xf32> to vector<512x128xf32>
    %add3A_48 = arith.addf %dot_general3A_43, %add3A_47 : vector<512x128xf32>
    %get3A_49 = arith.constant 0 : index
    %get3A_50 = arith.constant 0 : index
    %get3A_51 = vector.load %arg6[%get3A_49, %get3A_50] : memref<128x128xf32, #tpu.memory_space<vmem>>, vector<128x128xf32>
    %dot_general3A_52 = arith.constant dense<0.000000e+00> : vector<512x128xf32>
    %dot_general3A_53 = tpu.matmul %mul3A_27, %get3A_51, %dot_general3A_52 {dimension_numbers = #tpu.dot_dimension_numbers<[1], [0], [0], [1], [0, 0, 1, 1], [], []>, transpose_lhs_hint = false} : vector<512x128xf32>, vector<128x128xf32>, vector<512x128xf32> -> vector<512x128xf32>
    %get3A_54 = arith.constant 0 : index
    %get3A_55 = arith.constant 0 : index
    %get3A_56 = vector.load %arg7[%get3A_54, %get3A_55] : memref<1x128xf32, #tpu.memory_space<vmem>>, vector<1x128xf32>
    %add3A_57 = vector.broadcast %get3A_56 : vector<1x128xf32> to vector<512x128xf32>
    %add3A_58 = arith.addf %dot_general3A_53, %add3A_57 : vector<512x128xf32>
    %convert_element_type3A = arith.truncf %add3A_48 : vector<512x128xf32> to vector<512x128xbf16>
    %convert_element_type3A_59 = arith.extf %convert_element_type3A : vector<512x128xbf16> to vector<512x128xf32>
    %bitcast_convert_type3A = tpu.bitcast %convert_element_type3A_59 : vector<512x128xf32> -> vector<512x128xi32>
    %convert_element_type3A_60 = arith.truncf %add3A_58 : vector<512x128xf32> to vector<512x128xbf16>
    %convert_element_type3A_61 = arith.extf %convert_element_type3A_60 : vector<512x128xbf16> to vector<512x128xf32>
    %bitcast_convert_type3A_62 = tpu.bitcast %convert_element_type3A_61 : vector<512x128xf32> -> vector<512x128xi32>
    %shift_right_logical3A = arith.constant 16 : i32
    %shift_right_logical3A_63 = vector.broadcast %shift_right_logical3A : i32 to vector<512x128xi32>
    %shift_right_logical3A_64 = arith.shrui %bitcast_convert_type3A_62, %shift_right_logical3A_63 : vector<512x128xi32>
    %or3A = arith.ori %bitcast_convert_type3A, %shift_right_logical3A_64 : vector<512x128xi32>
    %swap3A_65 = arith.constant 0 : index
    %swap3A_66 = arith.constant 0 : index
    %swap3A_67 = vector.load %arg9[%swap3A_65, %swap3A_66] : memref<512x128xi32, #tpu.memory_space<vmem>>, vector<512x128xi32>
    tpu.vector_store %arg9[%swap3A_65, %swap3A_66], %or3A {strides = array<i32>} : memref<512x128xi32, #tpu.memory_space<vmem>>, vector<512x128xi32>,
    return
  }
  func.func @transform_0(%arg0: i32) -> (i32, i32, i32) {
    %c0_i32 = arith.constant 0 : i32
    %c0_i32_0 = arith.constant 0 : i32
    %c0_i32_1 = arith.constant 0 : i32
    return %arg0, %c0_i32, %c0_i32_0 : i32, i32, i32
  }
  func.func @transform_1(%arg0: i32) -> (i32, i32) {
    %c0_i32 = arith.constant 0 : i32
    %c0_i32_0 = arith.constant 0 : i32
    %c0_i32_1 = arith.constant 0 : i32
    return %c0_i32, %c0_i32_0 : i32, i32
  }
  func.func @transform_2(%arg0: i32) -> (i32, i32) {
    %c0_i32 = arith.constant 0 : i32
    %c0_i32_0 = arith.constant 0 : i32
    %c0_i32_1 = arith.constant 0 : i32
    return %c0_i32, %c0_i32_0 : i32, i32
  }
  func.func @transform_3(%arg0: i32) -> (i32, i32) {
    %c0_i32 = arith.constant 0 : i32
    %c0_i32_0 = arith.constant 0 : i32
    %c0_i32_1 = arith.constant 0 : i32
    return %c0_i32, %c0_i32_0 : i32, i32
  }
  func.func @transform_4(%arg0: i32) -> (i32, i32) {
    %c0_i32 = arith.constant 0 : i32
    %c0_i32_0 = arith.constant 0 : i32
    %c0_i32_1 = arith.constant 0 : i32
    return %c0_i32, %c0_i32_0 : i32, i32
  }
  func.func @transform_5(%arg0: i32) -> (i32, i32) {
    %c0_i32 = arith.constant 0 : i32
    %c0_i32_0 = arith.constant 0 : i32
    %c0_i32_1 = arith.constant 0 : i32
    return %c0_i32, %c0_i32_0 : i32, i32
  }
  func.func @transform_6(%arg0: i32) -> (i32, i32) {
    %c0_i32 = arith.constant 0 : i32
    %c0_i32_0 = arith.constant 0 : i32
    %c0_i32_1 = arith.constant 0 : i32
    return %c0_i32, %c0_i32_0 : i32, i32
  }
  func.func @transform_7(%arg0: i32) -> (i32, i32) {
    %c0_i32 = arith.constant 0 : i32
    %c0_i32_0 = arith.constant 0 : i32
    return %arg0, %c0_i32 : i32, i32
  }
  func.func @transform_8(%arg0: i32) -> (i32, i32) {
    %c0_i32 = arith.constant 0 : i32
    %c0_i32_0 = arith.constant 0 : i32
    return %arg0, %c0_i32 : i32, i32
  }
}

module attributes {stable_mosaic.version = 14 : i64} {
  func.func @_attn_body(%arg0: i32, %arg1: memref<512x128xf32, #tpu.memory_space<vmem>>, %arg2: memref<8192x128xi32, #tpu.memory_space<vmem>>, %arg3: memref<512x16xf32, #tpu.memory_space<vmem>>, %arg4: memref<128x128xf32, #tpu.memory_space<vmem>>, %arg5: memref<1x128xf32, #tpu.memory_space<vmem>>, %arg6: memref<512x128xf32, #tpu.memory_space<vmem>>) attributes {dimension_semantics = [#tpu.dimension_semantics<arbitrary>], iteration_bounds = array<i64: 4>, scalar_prefetch = 0 : i64, scratch_operands = 0 : i64, tpu.core_type = #tpu.core_type<tc>, window_params = [{transform_indices = @transform_0, window_bounds = array<i64: 512, 128>}, {transform_indices = @transform_1, window_bounds = array<i64: 8192, 128>}, {pipeline_mode = #tpu.pipeline_mode<synchronous>, transform_indices = @transform_2, window_bounds = array<i64: 512, 16>}, {pipeline_mode = #tpu.pipeline_mode<synchronous>, transform_indices = @transform_3, window_bounds = array<i64: 128, 128>}, {pipeline_mode = #tpu.pipeline_mode<synchronous>, transform_indices = @transform_4, window_bounds = array<i64: 1, 128>}, {transform_indices = @transform_5, window_bounds = array<i64: 512, 128>}]} {
    %get3A = arith.constant 0 : index
    %get3A_0 = arith.constant 0 : index
    %get3A_1 = vector.load %arg1[%get3A, %get3A_0] : memref<512x128xf32, #tpu.memory_space<vmem>>, vector<512x128xf32>
    %get3A_2 = arith.constant 0 : index
    %get3A_3 = arith.constant 0 : index
    %get3A_4 = vector.load %arg2[%get3A_2, %get3A_3] : memref<8192x128xi32, #tpu.memory_space<vmem>>, vector<8192x128xi32>
    %and3A = arith.constant -65536 : i32
    %and3A_5 = vector.broadcast %and3A : i32 to vector<8192x128xi32>
    %and3A_6 = arith.andi %get3A_4, %and3A_5 : vector<8192x128xi32>
    %bitcast_convert_type3A = tpu.bitcast %and3A_6 : vector<8192x128xi32> -> vector<8192x128xf32>
    %shift_left3A = arith.constant 16 : i32
    %shift_left3A_7 = vector.broadcast %shift_left3A : i32 to vector<8192x128xi32>
    %shift_left3A_8 = arith.shli %get3A_4, %shift_left3A_7 : vector<8192x128xi32>
    %bitcast_convert_type3A_9 = tpu.bitcast %shift_left3A_8 : vector<8192x128xi32> -> vector<8192x128xf32>
    %iota3A = tpu.iota {dimensions = array<i32: 0>} : vector<128x4xi32>
    %jit3A = arith.constant 32 : i32
    %div3A = vector.broadcast %jit3A : i32 to vector<128x4xi32>
    %div3A_10 = arith.divsi %iota3A, %div3A : vector<128x4xi32>
    %sign3A = arith.constant 0 : i32
    %sign3A_11 = vector.broadcast %sign3A : i32 to vector<128x4xi32>
    %sign3A_12 = arith.cmpi sgt, %iota3A, %sign3A_11 : vector<128x4xi32>
    %sign3A_13 = arith.extui %sign3A_12 : vector<128x4xi1> to vector<128x4xi32>
    %sign3A_14 = arith.constant 0 : i32
    %sign3A_15 = vector.broadcast %sign3A_14 : i32 to vector<128x4xi32>
    %sign3A_16 = arith.cmpi slt, %iota3A, %sign3A_15 : vector<128x4xi32>
    %sign3A_17 = arith.extui %sign3A_16 : vector<128x4xi1> to vector<128x4xi32>
    %sign3A_18 = arith.subi %sign3A_13, %sign3A_17 : vector<128x4xi32>
    %sign3A_19 = arith.constant 0 : i32
    %sign3A_20 = arith.cmpi sgt, %jit3A, %sign3A_19 : i32
    %sign3A_21 = arith.extui %sign3A_20 : i1 to i32
    %sign3A_22 = arith.constant 0 : i32
    %sign3A_23 = arith.cmpi slt, %jit3A, %sign3A_22 : i32
    %sign3A_24 = arith.extui %sign3A_23 : i1 to i32
    %sign3A_25 = arith.subi %sign3A_21, %sign3A_24 : i32
    %ne3A = vector.broadcast %sign3A_25 : i32 to vector<128x4xi32>
    %ne3A_26 = arith.cmpi ne, %sign3A_18, %ne3A : vector<128x4xi32>
    %rem3A = vector.broadcast %jit3A : i32 to vector<128x4xi32>
    %rem3A_27 = arith.remsi %iota3A, %rem3A : vector<128x4xi32>
    %ne3A_28 = arith.constant 0 : i32
    %ne3A_29 = vector.broadcast %ne3A_28 : i32 to vector<128x4xi32>
    %ne3A_30 = arith.cmpi ne, %rem3A_27, %ne3A_29 : vector<128x4xi32>
    %and3A_31 = arith.andi %ne3A_26, %ne3A_30 : vector<128x4xi1>
    %sub3A = arith.constant 1 : i32
    %sub3A_32 = vector.broadcast %sub3A : i32 to vector<128x4xi32>
    %sub3A_33 = arith.subi %div3A_10, %sub3A_32 : vector<128x4xi32>
    %select_n3A = arith.select %and3A_31, %sub3A_33, %div3A_10 : vector<128x4xi1>, vector<128x4xi32>
    %iota3A_34 = tpu.iota {dimensions = array<i32: 1>} : vector<128x4xi32>
    %eq3A = arith.cmpi eq, %select_n3A, %iota3A_34 : vector<128x4xi32>
    %convert_element_type3A = arith.extui %eq3A : vector<128x4xi1> to vector<128x4xi32>
    %convert_element_type3A_35 = arith.sitofp %convert_element_type3A : vector<128x4xi32> to vector<128x4xf32>
    %convert_element_type3A_36 = arith.truncf %convert_element_type3A_35 : vector<128x4xf32> to vector<128x4xbf16>
    %iota3A_37 = tpu.iota {dimensions = array<i32: 0>} : vector<4x128xi32>
    %iota3A_38 = tpu.iota {dimensions = array<i32: 1>} : vector<4x128xi32>
    %jit3A_39 = arith.constant 32 : i32
    %div3A_40 = vector.broadcast %jit3A_39 : i32 to vector<4x128xi32>
    %div3A_41 = arith.divsi %iota3A_38, %div3A_40 : vector<4x128xi32>
    %sign3A_42 = arith.constant 0 : i32
    %sign3A_43 = vector.broadcast %sign3A_42 : i32 to vector<4x128xi32>
    %sign3A_44 = arith.cmpi sgt, %iota3A_38, %sign3A_43 : vector<4x128xi32>
    %sign3A_45 = arith.extui %sign3A_44 : vector<4x128xi1> to vector<4x128xi32>
    %sign3A_46 = arith.constant 0 : i32
    %sign3A_47 = vector.broadcast %sign3A_46 : i32 to vector<4x128xi32>
    %sign3A_48 = arith.cmpi slt, %iota3A_38, %sign3A_47 : vector<4x128xi32>
    %sign3A_49 = arith.extui %sign3A_48 : vector<4x128xi1> to vector<4x128xi32>
    %sign3A_50 = arith.subi %sign3A_45, %sign3A_49 : vector<4x128xi32>
    %sign3A_51 = arith.constant 0 : i32
    %sign3A_52 = arith.cmpi sgt, %jit3A_39, %sign3A_51 : i32
    %sign3A_53 = arith.extui %sign3A_52 : i1 to i32
    %sign3A_54 = arith.constant 0 : i32
    %sign3A_55 = arith.cmpi slt, %jit3A_39, %sign3A_54 : i32
    %sign3A_56 = arith.extui %sign3A_55 : i1 to i32
    %sign3A_57 = arith.subi %sign3A_53, %sign3A_56 : i32
    %ne3A_58 = vector.broadcast %sign3A_57 : i32 to vector<4x128xi32>
    %ne3A_59 = arith.cmpi ne, %sign3A_50, %ne3A_58 : vector<4x128xi32>
    %rem3A_60 = vector.broadcast %jit3A_39 : i32 to vector<4x128xi32>
    %rem3A_61 = arith.remsi %iota3A_38, %rem3A_60 : vector<4x128xi32>
    %ne3A_62 = arith.constant 0 : i32
    %ne3A_63 = vector.broadcast %ne3A_62 : i32 to vector<4x128xi32>
    %ne3A_64 = arith.cmpi ne, %rem3A_61, %ne3A_63 : vector<4x128xi32>
    %and3A_65 = arith.andi %ne3A_59, %ne3A_64 : vector<4x128xi1>
    %sub3A_66 = arith.constant 1 : i32
    %sub3A_67 = vector.broadcast %sub3A_66 : i32 to vector<4x128xi32>
    %sub3A_68 = arith.subi %div3A_41, %sub3A_67 : vector<4x128xi32>
    %select_n3A_69 = arith.select %and3A_65, %sub3A_68, %div3A_41 : vector<4x128xi1>, vector<4x128xi32>
    %eq3A_70 = arith.cmpi eq, %iota3A_37, %select_n3A_69 : vector<4x128xi32>
    %convert_element_type3A_71 = arith.extui %eq3A_70 : vector<4x128xi1> to vector<4x128xi32>
    %convert_element_type3A_72 = arith.sitofp %convert_element_type3A_71 : vector<4x128xi32> to vector<4x128xf32>
    %convert_element_type3A_73 = arith.truncf %convert_element_type3A_72 : vector<4x128xf32> to vector<4x128xbf16>
    %broadcast_in_dim3A = vector.shape_cast %get3A_1 : vector<512x128xf32> to vector<512x1x128xf32>
    %broadcast_in_dim3A_74 = vector.shape_cast %broadcast_in_dim3A : vector<512x1x128xf32> to vector<512x1x128xf32>
    %broadcast_in_dim3A_75 = vector.broadcast %broadcast_in_dim3A_74 : vector<512x1x128xf32> to vector<512x16x128xf32>
    %reshape3A = vector.shape_cast %broadcast_in_dim3A_75 : vector<512x16x128xf32> to vector<8192x128xf32>
    %mul3A = arith.mulf %reshape3A, %bitcast_convert_type3A : vector<8192x128xf32>
    %convert_element_type3A_76 = arith.truncf %mul3A : vector<8192x128xf32> to vector<8192x128xbf16>
    %dot_general3A = arith.constant dense<0.000000e+00> : vector<8192x4xf32>
    %dot_general3A_77 = tpu.matmul %convert_element_type3A_76, %convert_element_type3A_36, %dot_general3A {dimension_numbers = #tpu.dot_dimension_numbers<[1], [0], [0], [1], [0, 0, 1, 1], [], []>, transpose_lhs_hint = false} : vector<8192x128xbf16>, vector<128x4xbf16>, vector<8192x4xf32> -> vector<8192x4xf32>
    %reshape3A_78 = vector.shape_cast %dot_general3A_77 : vector<8192x4xf32> to vector<512x16x4xf32>
    %mul3A_79 = arith.constant 0.176776692 : f32
    %mul3A_80 = vector.broadcast %mul3A_79 : f32 to vector<512x16x4xf32>
    %mul3A_81 = arith.mulf %reshape3A_78, %mul3A_80 : vector<512x16x4xf32>
    %get3A_82 = arith.constant 0 : index
    %get3A_83 = arith.constant 0 : index
    %get3A_84 = vector.load %arg3[%get3A_82, %get3A_83] : memref<512x16xf32, #tpu.memory_space<vmem>>, vector<512x16xf32>
    %broadcast_in_dim3A_85 = vector.shape_cast %get3A_84 : vector<512x16xf32> to vector<512x16x1xf32>
    %add3A = vector.broadcast %broadcast_in_dim3A_85 : vector<512x16x1xf32> to vector<512x16x4xf32>
    %add3A_86 = arith.addf %mul3A_81, %add3A : vector<512x16x4xf32>
    %reduce_max3A = arith.constant dense<0xFF800000> : vector<512x4xf32>
    %reduce_max3A_87 = vector.multi_reduction <maximumf>, %add3A_86, %reduce_max3A [1] : vector<512x16x4xf32> to vector<512x4xf32>
    %broadcast_in_dim3A_88 = vector.shape_cast %reduce_max3A_87 : vector<512x4xf32> to vector<512x1x4xf32>
    %sub3A_89 = vector.broadcast %broadcast_in_dim3A_88 : vector<512x1x4xf32> to vector<512x16x4xf32>
    %sub3A_90 = arith.subf %add3A_86, %sub3A_89 : vector<512x16x4xf32>
    %exp3A = math.exp %sub3A_90 : vector<512x16x4xf32>
    %reduce_sum3A = arith.constant dense<0.000000e+00> : vector<512x4xf32>
    %reduce_sum3A_91 = vector.multi_reduction <add>, %exp3A, %reduce_sum3A [1] : vector<512x16x4xf32> to vector<512x4xf32>
    %broadcast_in_dim3A_92 = vector.shape_cast %reduce_sum3A_91 : vector<512x4xf32> to vector<512x1x4xf32>
    %div3A_93 = vector.broadcast %broadcast_in_dim3A_92 : vector<512x1x4xf32> to vector<512x16x4xf32>
    %div3A_94 = arith.divf %exp3A, %div3A_93 : vector<512x16x4xf32>
    %reshape3A_95 = vector.shape_cast %div3A_94 : vector<512x16x4xf32> to vector<8192x4xf32>
    %convert_element_type3A_96 = arith.truncf %reshape3A_95 : vector<8192x4xf32> to vector<8192x4xbf16>
    %dot_general3A_97 = arith.constant dense<0.000000e+00> : vector<8192x128xf32>
    %dot_general3A_98 = tpu.matmul %convert_element_type3A_96, %convert_element_type3A_73, %dot_general3A_97 {dimension_numbers = #tpu.dot_dimension_numbers<[1], [0], [0], [1], [0, 0, 1, 1], [], []>, transpose_lhs_hint = false} : vector<8192x4xbf16>, vector<4x128xbf16>, vector<8192x128xf32> -> vector<8192x128xf32>
    %mul3A_99 = arith.mulf %dot_general3A_98, %bitcast_convert_type3A_9 : vector<8192x128xf32>
    %reshape3A_100 = vector.shape_cast %mul3A_99 : vector<8192x128xf32> to vector<512x16x128xf32>
    %reduce_sum3A_101 = arith.constant dense<0.000000e+00> : vector<512x128xf32>
    %reduce_sum3A_102 = vector.multi_reduction <add>, %reshape3A_100, %reduce_sum3A_101 [1] : vector<512x16x128xf32> to vector<512x128xf32>
    %get3A_103 = arith.constant 0 : index
    %get3A_104 = arith.constant 0 : index
    %get3A_105 = vector.load %arg4[%get3A_103, %get3A_104] : memref<128x128xf32, #tpu.memory_space<vmem>>, vector<128x128xf32>
    %dot_general3A_106 = arith.constant dense<0.000000e+00> : vector<512x128xf32>
    %dot_general3A_107 = tpu.matmul %reduce_sum3A_102, %get3A_105, %dot_general3A_106 {dimension_numbers = #tpu.dot_dimension_numbers<[1], [0], [0], [1], [0, 0, 1, 1], [], []>, transpose_lhs_hint = false} : vector<512x128xf32>, vector<128x128xf32>, vector<512x128xf32> -> vector<512x128xf32>
    %get3A_108 = arith.constant 0 : index
    %get3A_109 = arith.constant 0 : index
    %get3A_110 = vector.load %arg5[%get3A_108, %get3A_109] : memref<1x128xf32, #tpu.memory_space<vmem>>, vector<1x128xf32>
    %add3A_111 = vector.broadcast %get3A_110 : vector<1x128xf32> to vector<512x128xf32>
    %add3A_112 = arith.addf %dot_general3A_107, %add3A_111 : vector<512x128xf32>
    %swap3A = arith.constant 0 : index
    %swap3A_113 = arith.constant 0 : index
    %swap3A_114 = vector.load %arg6[%swap3A, %swap3A_113] : memref<512x128xf32, #tpu.memory_space<vmem>>, vector<512x128xf32>
    tpu.vector_store %arg6[%swap3A, %swap3A_113], %add3A_112 {strides = array<i32>} : memref<512x128xf32, #tpu.memory_space<vmem>>, vector<512x128xf32>,
    return
  }
  func.func @transform_0(%arg0: i32) -> (i32, i32) {
    %mul3A = arith.constant 2 : i32
    %mul3A_0 = arith.muli %arg0, %mul3A : i32
    %add3A = arith.constant 1 : i32
    %add3A_1 = arith.addi %mul3A_0, %add3A : i32
    %c0_i32 = arith.constant 0 : i32
    %c0_i32_2 = arith.constant 0 : i32
    return %add3A_1, %c0_i32 : i32, i32
  }
  func.func @transform_1(%arg0: i32) -> (i32, i32) {
    %c0_i32 = arith.constant 0 : i32
    %c0_i32_0 = arith.constant 0 : i32
    return %arg0, %c0_i32 : i32, i32
  }
  func.func @transform_2(%arg0: i32) -> (i32, i32) {
    %c0_i32 = arith.constant 0 : i32
    %c0_i32_0 = arith.constant 0 : i32
    %c0_i32_1 = arith.constant 0 : i32
    return %c0_i32, %c0_i32_0 : i32, i32
  }
  func.func @transform_3(%arg0: i32) -> (i32, i32) {
    %c0_i32 = arith.constant 0 : i32
    %c0_i32_0 = arith.constant 0 : i32
    %c0_i32_1 = arith.constant 0 : i32
    return %c0_i32, %c0_i32_0 : i32, i32
  }
  func.func @transform_4(%arg0: i32) -> (i32, i32) {
    %c0_i32 = arith.constant 0 : i32
    %c0_i32_0 = arith.constant 0 : i32
    %c0_i32_1 = arith.constant 0 : i32
    return %c0_i32, %c0_i32_0 : i32, i32
  }
  func.func @transform_5(%arg0: i32) -> (i32, i32) {
    %c0_i32 = arith.constant 0 : i32
    %c0_i32_0 = arith.constant 0 : i32
    return %arg0, %c0_i32 : i32, i32
  }
}

module attributes {stable_mosaic.version = 14 : i64} {
  func.func @_attn_body(%arg0: i32, %arg1: memref<512x128xf32, #tpu.memory_space<vmem>>, %arg2: memref<8192x128xi32, #tpu.memory_space<vmem>>, %arg3: memref<512x16xf32, #tpu.memory_space<vmem>>, %arg4: memref<128x128xf32, #tpu.memory_space<vmem>>, %arg5: memref<1x128xf32, #tpu.memory_space<vmem>>, %arg6: memref<512x128xf32, #tpu.memory_space<vmem>>) attributes {dimension_semantics = [#tpu.dimension_semantics<arbitrary>], iteration_bounds = array<i64: 4>, scalar_prefetch = 0 : i64, scratch_operands = 0 : i64, tpu.core_type = #tpu.core_type<tc>, window_params = [{transform_indices = @transform_0, window_bounds = array<i64: 512, 128>}, {transform_indices = @transform_1, window_bounds = array<i64: 8192, 128>}, {pipeline_mode = #tpu.pipeline_mode<synchronous>, transform_indices = @transform_2, window_bounds = array<i64: 512, 16>}, {pipeline_mode = #tpu.pipeline_mode<synchronous>, transform_indices = @transform_3, window_bounds = array<i64: 128, 128>}, {pipeline_mode = #tpu.pipeline_mode<synchronous>, transform_indices = @transform_4, window_bounds = array<i64: 1, 128>}, {transform_indices = @transform_5, window_bounds = array<i64: 512, 128>}]} {
    %get3A = arith.constant 0 : index
    %get3A_0 = arith.constant 0 : index
    %get3A_1 = vector.load %arg1[%get3A, %get3A_0] : memref<512x128xf32, #tpu.memory_space<vmem>>, vector<512x128xf32>
    %get3A_2 = arith.constant 0 : index
    %get3A_3 = arith.constant 0 : index
    %get3A_4 = vector.load %arg2[%get3A_2, %get3A_3] : memref<8192x128xi32, #tpu.memory_space<vmem>>, vector<8192x128xi32>
    %and3A = arith.constant -65536 : i32
    %and3A_5 = vector.broadcast %and3A : i32 to vector<8192x128xi32>
    %and3A_6 = arith.andi %get3A_4, %and3A_5 : vector<8192x128xi32>
    %bitcast_convert_type3A = tpu.bitcast %and3A_6 : vector<8192x128xi32> -> vector<8192x128xf32>
    %shift_left3A = arith.constant 16 : i32
    %shift_left3A_7 = vector.broadcast %shift_left3A : i32 to vector<8192x128xi32>
    %shift_left3A_8 = arith.shli %get3A_4, %shift_left3A_7 : vector<8192x128xi32>
    %bitcast_convert_type3A_9 = tpu.bitcast %shift_left3A_8 : vector<8192x128xi32> -> vector<8192x128xf32>
    %iota3A = tpu.iota {dimensions = array<i32: 0>} : vector<128x4xi32>
    %jit3A = arith.constant 32 : i32
    %div3A = vector.broadcast %jit3A : i32 to vector<128x4xi32>
    %div3A_10 = arith.divsi %iota3A, %div3A : vector<128x4xi32>
    %sign3A = arith.constant 0 : i32
    %sign3A_11 = vector.broadcast %sign3A : i32 to vector<128x4xi32>
    %sign3A_12 = arith.cmpi sgt, %iota3A, %sign3A_11 : vector<128x4xi32>
    %sign3A_13 = arith.extui %sign3A_12 : vector<128x4xi1> to vector<128x4xi32>
    %sign3A_14 = arith.constant 0 : i32
    %sign3A_15 = vector.broadcast %sign3A_14 : i32 to vector<128x4xi32>
    %sign3A_16 = arith.cmpi slt, %iota3A, %sign3A_15 : vector<128x4xi32>
    %sign3A_17 = arith.extui %sign3A_16 : vector<128x4xi1> to vector<128x4xi32>
    %sign3A_18 = arith.subi %sign3A_13, %sign3A_17 : vector<128x4xi32>
    %sign3A_19 = arith.constant 0 : i32
    %sign3A_20 = arith.cmpi sgt, %jit3A, %sign3A_19 : i32
    %sign3A_21 = arith.extui %sign3A_20 : i1 to i32
    %sign3A_22 = arith.constant 0 : i32
    %sign3A_23 = arith.cmpi slt, %jit3A, %sign3A_22 : i32
    %sign3A_24 = arith.extui %sign3A_23 : i1 to i32
    %sign3A_25 = arith.subi %sign3A_21, %sign3A_24 : i32
    %ne3A = vector.broadcast %sign3A_25 : i32 to vector<128x4xi32>
    %ne3A_26 = arith.cmpi ne, %sign3A_18, %ne3A : vector<128x4xi32>
    %rem3A = vector.broadcast %jit3A : i32 to vector<128x4xi32>
    %rem3A_27 = arith.remsi %iota3A, %rem3A : vector<128x4xi32>
    %ne3A_28 = arith.constant 0 : i32
    %ne3A_29 = vector.broadcast %ne3A_28 : i32 to vector<128x4xi32>
    %ne3A_30 = arith.cmpi ne, %rem3A_27, %ne3A_29 : vector<128x4xi32>
    %and3A_31 = arith.andi %ne3A_26, %ne3A_30 : vector<128x4xi1>
    %sub3A = arith.constant 1 : i32
    %sub3A_32 = vector.broadcast %sub3A : i32 to vector<128x4xi32>
    %sub3A_33 = arith.subi %div3A_10, %sub3A_32 : vector<128x4xi32>
    %select_n3A = arith.select %and3A_31, %sub3A_33, %div3A_10 : vector<128x4xi1>, vector<128x4xi32>
    %iota3A_34 = tpu.iota {dimensions = array<i32: 1>} : vector<128x4xi32>
    %eq3A = arith.cmpi eq, %select_n3A, %iota3A_34 : vector<128x4xi32>
    %convert_element_type3A = arith.extui %eq3A : vector<128x4xi1> to vector<128x4xi32>
    %convert_element_type3A_35 = arith.sitofp %convert_element_type3A : vector<128x4xi32> to vector<128x4xf32>
    %convert_element_type3A_36 = arith.truncf %convert_element_type3A_35 : vector<128x4xf32> to vector<128x4xbf16>
    %iota3A_37 = tpu.iota {dimensions = array<i32: 0>} : vector<4x128xi32>
    %iota3A_38 = tpu.iota {dimensions = array<i32: 1>} : vector<4x128xi32>
    %jit3A_39 = arith.constant 32 : i32
    %div3A_40 = vector.broadcast %jit3A_39 : i32 to vector<4x128xi32>
    %div3A_41 = arith.divsi %iota3A_38, %div3A_40 : vector<4x128xi32>
    %sign3A_42 = arith.constant 0 : i32
    %sign3A_43 = vector.broadcast %sign3A_42 : i32 to vector<4x128xi32>
    %sign3A_44 = arith.cmpi sgt, %iota3A_38, %sign3A_43 : vector<4x128xi32>
    %sign3A_45 = arith.extui %sign3A_44 : vector<4x128xi1> to vector<4x128xi32>
    %sign3A_46 = arith.constant 0 : i32
    %sign3A_47 = vector.broadcast %sign3A_46 : i32 to vector<4x128xi32>
    %sign3A_48 = arith.cmpi slt, %iota3A_38, %sign3A_47 : vector<4x128xi32>
    %sign3A_49 = arith.extui %sign3A_48 : vector<4x128xi1> to vector<4x128xi32>
    %sign3A_50 = arith.subi %sign3A_45, %sign3A_49 : vector<4x128xi32>
    %sign3A_51 = arith.constant 0 : i32
    %sign3A_52 = arith.cmpi sgt, %jit3A_39, %sign3A_51 : i32
    %sign3A_53 = arith.extui %sign3A_52 : i1 to i32
    %sign3A_54 = arith.constant 0 : i32
    %sign3A_55 = arith.cmpi slt, %jit3A_39, %sign3A_54 : i32
    %sign3A_56 = arith.extui %sign3A_55 : i1 to i32
    %sign3A_57 = arith.subi %sign3A_53, %sign3A_56 : i32
    %ne3A_58 = vector.broadcast %sign3A_57 : i32 to vector<4x128xi32>
    %ne3A_59 = arith.cmpi ne, %sign3A_50, %ne3A_58 : vector<4x128xi32>
    %rem3A_60 = vector.broadcast %jit3A_39 : i32 to vector<4x128xi32>
    %rem3A_61 = arith.remsi %iota3A_38, %rem3A_60 : vector<4x128xi32>
    %ne3A_62 = arith.constant 0 : i32
    %ne3A_63 = vector.broadcast %ne3A_62 : i32 to vector<4x128xi32>
    %ne3A_64 = arith.cmpi ne, %rem3A_61, %ne3A_63 : vector<4x128xi32>
    %and3A_65 = arith.andi %ne3A_59, %ne3A_64 : vector<4x128xi1>
    %sub3A_66 = arith.constant 1 : i32
    %sub3A_67 = vector.broadcast %sub3A_66 : i32 to vector<4x128xi32>
    %sub3A_68 = arith.subi %div3A_41, %sub3A_67 : vector<4x128xi32>
    %select_n3A_69 = arith.select %and3A_65, %sub3A_68, %div3A_41 : vector<4x128xi1>, vector<4x128xi32>
    %eq3A_70 = arith.cmpi eq, %iota3A_37, %select_n3A_69 : vector<4x128xi32>
    %convert_element_type3A_71 = arith.extui %eq3A_70 : vector<4x128xi1> to vector<4x128xi32>
    %convert_element_type3A_72 = arith.sitofp %convert_element_type3A_71 : vector<4x128xi32> to vector<4x128xf32>
    %convert_element_type3A_73 = arith.truncf %convert_element_type3A_72 : vector<4x128xf32> to vector<4x128xbf16>
    %broadcast_in_dim3A = vector.shape_cast %get3A_1 : vector<512x128xf32> to vector<512x1x128xf32>
    %broadcast_in_dim3A_74 = vector.shape_cast %broadcast_in_dim3A : vector<512x1x128xf32> to vector<512x1x128xf32>
    %broadcast_in_dim3A_75 = vector.broadcast %broadcast_in_dim3A_74 : vector<512x1x128xf32> to vector<512x16x128xf32>
    %reshape3A = vector.shape_cast %broadcast_in_dim3A_75 : vector<512x16x128xf32> to vector<8192x128xf32>
    %mul3A = arith.mulf %reshape3A, %bitcast_convert_type3A : vector<8192x128xf32>
    %convert_element_type3A_76 = arith.truncf %mul3A : vector<8192x128xf32> to vector<8192x128xbf16>
    %dot_general3A = arith.constant dense<0.000000e+00> : vector<8192x4xf32>
    %dot_general3A_77 = tpu.matmul %convert_element_type3A_76, %convert_element_type3A_36, %dot_general3A {dimension_numbers = #tpu.dot_dimension_numbers<[1], [0], [0], [1], [0, 0, 1, 1], [], []>, transpose_lhs_hint = false} : vector<8192x128xbf16>, vector<128x4xbf16>, vector<8192x4xf32> -> vector<8192x4xf32>
    %reshape3A_78 = vector.shape_cast %dot_general3A_77 : vector<8192x4xf32> to vector<512x16x4xf32>
    %mul3A_79 = arith.constant 0.176776692 : f32
    %mul3A_80 = vector.broadcast %mul3A_79 : f32 to vector<512x16x4xf32>
    %mul3A_81 = arith.mulf %reshape3A_78, %mul3A_80 : vector<512x16x4xf32>
    %get3A_82 = arith.constant 0 : index
    %get3A_83 = arith.constant 0 : index
    %get3A_84 = vector.load %arg3[%get3A_82, %get3A_83] : memref<512x16xf32, #tpu.memory_space<vmem>>, vector<512x16xf32>
    %broadcast_in_dim3A_85 = vector.shape_cast %get3A_84 : vector<512x16xf32> to vector<512x16x1xf32>
    %add3A = vector.broadcast %broadcast_in_dim3A_85 : vector<512x16x1xf32> to vector<512x16x4xf32>
    %add3A_86 = arith.addf %mul3A_81, %add3A : vector<512x16x4xf32>
    %reduce_max3A = arith.constant dense<0xFF800000> : vector<512x4xf32>
    %reduce_max3A_87 = vector.multi_reduction <maximumf>, %add3A_86, %reduce_max3A [1] : vector<512x16x4xf32> to vector<512x4xf32>
    %broadcast_in_dim3A_88 = vector.shape_cast %reduce_max3A_87 : vector<512x4xf32> to vector<512x1x4xf32>
    %sub3A_89 = vector.broadcast %broadcast_in_dim3A_88 : vector<512x1x4xf32> to vector<512x16x4xf32>
    %sub3A_90 = arith.subf %add3A_86, %sub3A_89 : vector<512x16x4xf32>
    %exp3A = math.exp %sub3A_90 : vector<512x16x4xf32>
    %reduce_sum3A = arith.constant dense<0.000000e+00> : vector<512x4xf32>
    %reduce_sum3A_91 = vector.multi_reduction <add>, %exp3A, %reduce_sum3A [1] : vector<512x16x4xf32> to vector<512x4xf32>
    %broadcast_in_dim3A_92 = vector.shape_cast %reduce_sum3A_91 : vector<512x4xf32> to vector<512x1x4xf32>
    %div3A_93 = vector.broadcast %broadcast_in_dim3A_92 : vector<512x1x4xf32> to vector<512x16x4xf32>
    %div3A_94 = arith.divf %exp3A, %div3A_93 : vector<512x16x4xf32>
    %reshape3A_95 = vector.shape_cast %div3A_94 : vector<512x16x4xf32> to vector<8192x4xf32>
    %convert_element_type3A_96 = arith.truncf %reshape3A_95 : vector<8192x4xf32> to vector<8192x4xbf16>
    %dot_general3A_97 = arith.constant dense<0.000000e+00> : vector<8192x128xf32>
    %dot_general3A_98 = tpu.matmul %convert_element_type3A_96, %convert_element_type3A_73, %dot_general3A_97 {dimension_numbers = #tpu.dot_dimension_numbers<[1], [0], [0], [1], [0, 0, 1, 1], [], []>, transpose_lhs_hint = false} : vector<8192x4xbf16>, vector<4x128xbf16>, vector<8192x128xf32> -> vector<8192x128xf32>
    %mul3A_99 = arith.mulf %dot_general3A_98, %bitcast_convert_type3A_9 : vector<8192x128xf32>
    %reshape3A_100 = vector.shape_cast %mul3A_99 : vector<8192x128xf32> to vector<512x16x128xf32>
    %reduce_sum3A_101 = arith.constant dense<0.000000e+00> : vector<512x128xf32>
    %reduce_sum3A_102 = vector.multi_reduction <add>, %reshape3A_100, %reduce_sum3A_101 [1] : vector<512x16x128xf32> to vector<512x128xf32>
    %get3A_103 = arith.constant 0 : index
    %get3A_104 = arith.constant 0 : index
    %get3A_105 = vector.load %arg4[%get3A_103, %get3A_104] : memref<128x128xf32, #tpu.memory_space<vmem>>, vector<128x128xf32>
    %dot_general3A_106 = arith.constant dense<0.000000e+00> : vector<512x128xf32>
    %dot_general3A_107 = tpu.matmul %reduce_sum3A_102, %get3A_105, %dot_general3A_106 {dimension_numbers = #tpu.dot_dimension_numbers<[1], [0], [0], [1], [0, 0, 1, 1], [], []>, transpose_lhs_hint = false} : vector<512x128xf32>, vector<128x128xf32>, vector<512x128xf32> -> vector<512x128xf32>
    %get3A_108 = arith.constant 0 : index
    %get3A_109 = arith.constant 0 : index
    %get3A_110 = vector.load %arg5[%get3A_108, %get3A_109] : memref<1x128xf32, #tpu.memory_space<vmem>>, vector<1x128xf32>
    %add3A_111 = vector.broadcast %get3A_110 : vector<1x128xf32> to vector<512x128xf32>
    %add3A_112 = arith.addf %dot_general3A_107, %add3A_111 : vector<512x128xf32>
    %swap3A = arith.constant 0 : index
    %swap3A_113 = arith.constant 0 : index
    %swap3A_114 = vector.load %arg6[%swap3A, %swap3A_113] : memref<512x128xf32, #tpu.memory_space<vmem>>, vector<512x128xf32>
    tpu.vector_store %arg6[%swap3A, %swap3A_113], %add3A_112 {strides = array<i32>} : memref<512x128xf32, #tpu.memory_space<vmem>>, vector<512x128xf32>,
    return
  }
  func.func @transform_0(%arg0: i32) -> (i32, i32) {
    %mul3A = arith.constant 2 : i32
    %mul3A_0 = arith.muli %arg0, %mul3A : i32
    %add3A = arith.constant 0 : i32
    %add3A_1 = arith.addi %mul3A_0, %add3A : i32
    %c0_i32 = arith.constant 0 : i32
    %c0_i32_2 = arith.constant 0 : i32
    return %add3A_1, %c0_i32 : i32, i32
  }
  func.func @transform_1(%arg0: i32) -> (i32, i32) {
    %c0_i32 = arith.constant 0 : i32
    %c0_i32_0 = arith.constant 0 : i32
    return %arg0, %c0_i32 : i32, i32
  }
  func.func @transform_2(%arg0: i32) -> (i32, i32) {
    %c0_i32 = arith.constant 0 : i32
    %c0_i32_0 = arith.constant 0 : i32
    %c0_i32_1 = arith.constant 0 : i32
    return %c0_i32, %c0_i32_0 : i32, i32
  }
  func.func @transform_3(%arg0: i32) -> (i32, i32) {
    %c0_i32 = arith.constant 0 : i32
    %c0_i32_0 = arith.constant 0 : i32
    %c0_i32_1 = arith.constant 0 : i32
    return %c0_i32, %c0_i32_0 : i32, i32
  }
  func.func @transform_4(%arg0: i32) -> (i32, i32) {
    %c0_i32 = arith.constant 0 : i32
    %c0_i32_0 = arith.constant 0 : i32
    %c0_i32_1 = arith.constant 0 : i32
    return %c0_i32, %c0_i32_0 : i32, i32
  }
  func.func @transform_5(%arg0: i32) -> (i32, i32) {
    %c0_i32 = arith.constant 0 : i32
    %c0_i32_0 = arith.constant 0 : i32
    return %arg0, %c0_i32 : i32, i32
  }
}

</mosaic_0001>

<sc_bundles>
// kernel: kernel.12.cloned.1.call-start
scs
__scs_entry_jumppad:
0x0: {  	(pc) =	sbr.rel $0x88, $3  }
0x1: {  	(tag) =	ssettag $0x0;
	lr =	simm.s32 $0x1  }
0x2: {  	[smem:$0x3F96] =	sst lr;
	_ =	strace $0xD0000000  }
0x3: {  	_ = 	snop  }
0x4: {  	_ = 	snop  }
0x5: {  	_ = 	snop  }
0x6: {  	_ = 	snop  }
0x7: {  	_ = 	snop  }
__scs_overlays_trampoline_lowered:
0x8: {  	[smem:$0x3FA5] =	sst s0  }
0x9: {  	[smem:$0x3FA6] =	sst s1  }
0xa: {  	[smem:$0x3FA7] =	sst s2  }
0xb: {  	[smem:$0x3FA8] =	sst s3  }
0xc: {  	[smem:$0x3FA9] =	sst s4  }
0xd: {  	[smem:$0x3FAA] =	sst s5  }
0xe: {  	[smem:$0x3FAB] =	sst s6  }
0xf: {  	[smem:$0x3FAC] =	sst s7  }
0x10: {  	[smem:$0x3FAD] =	sst s8  }
0x11: {  	[smem:$0x3FAE] =	sst s9;
	s0 =	simm.s32 @!p0 $0x0  }
0x12: {  	s1 =	sld [smem:$0x3F94];
	s0 =	simm.s32 @p0 $0x1  }
0x13: {  	[smem:$0x3FAF] =	sst s0;
	s0 =	simm.s32 @!p1 $0x0  }
0x14: {  	s2 =	sld [smem:$0x3F93];
	s0 =	simm.s32 @p1 $0x1  }
0x15: {  	[smem:$0x3FB0] =	sst s0;
	s0 =	simm.s32 @!p2 $0x0  }
0x16: {  	s3 =	sld [smem:$0x3FDB];
	s0 =	simm.s32 @p2 $0x1  }
0x17: {  	s4 =	simm.s32 $0x1BF5;
	[smem:$0x3FB2] =	sst s0  }
0x18: {  	s0 =	sld [smem:$0x3F95];
	_ =	swait.ge [sflag:s4], $0x0  }
0x19: {  	s7 =	sld [smem:$0x3F96]  }
0x1a: {  	s8 =	sadd.s32 $0xFFFFE003, lr  }
0x1b: {  	s9 =	sadd.s32 $0xFFFFFEF7, lr;
	s5 =	simm.s32 $0xFFFFFFFF;
	p2 =	slt.u32 s8, $0xFFFFF086  }
0x1c: {  	p1 =	slt.u32 s9, $0xF7A;
	s5 =	simm.s32 @!p2 $0x0  }
0x1d: {  	s5 =	simm.s32 @p1 $0x1;
	p0 =	seq.s32 s7, s2  }
0x1e: {  	s7 =	smul.u32 @!p0 $0xF7A, s2;
	p2 =	seq.s32 @!p0 s5, $0x0  }
0x1f: {  	s9 =	smul.u32 $0xF7A, s1;
	s8 =	simm.s32 @!p0 $0x1BF5;
	p2 =	por !p2, p0  }
0x20: {  	[sflag:s8] =	ssyncset.s32 @!p0 $0xFFFFF086;
	s6 =	sadd.s32 @!p0 s3, s7;
	s7 =	simm.s32 @!p0 $0x108  }
0x21: {  	s3 =	sadd.s32 s3, s9;
	s6 =	sadd.s32 @!p0 $0x88, s6;
	s7 =	simm.s32 @p2 $0x1082  }
0x22: {  	[simem:s7], [sflag:s8] =	dma.local @!p0 [hbm:s6], $0xF7A  }
0x23: {  	s9 =	sor.u32 $0xD0000000, s2;
	s6 =	simm.s32 $0x108;
	_ =	swait.ge @!p0 [sflag:s8], $0x0  }
0x24: {  	s3 =	sadd.s32 $0x88, s3;
	s6 =	simm.s32 @!p1 $0x1082;
	[sflag:s4] =	ssyncset.s32 $0xFFFFF086  }
0x25: {  	[simem:s6], [sflag:s4] =	dma.local [hbm:s3], $0xF7A  }
0x26: {  	[smem:$0x3F96] =	sst s1;
	(tag) =	ssettag s2;
	_ =	strace s9  }
0x27: {  	s1 =	sld [smem:$0x3FA6]  }
0x28: {  	s2 =	sld [smem:$0x3FA7]  }
0x29: {  	s4 =	sld [smem:$0x3FA9]  }
0x2a: {  	p0 =	seq.s32 s5, $0x0;
	s5 =	sld [smem:$0x3FAA]  }
0x2b: {  	s6 =	sld [smem:$0x3FAB]  }
0x2c: {  	s7 =	sld [smem:$0x3FAC]  }
0x2d: {  	s3 =	simm.s32 $0x108;
	s8 =	sld [smem:$0x3FAD]  }
0x2e: {  	s3 =	simm.s32 @!p0 $0x1082;
	s9 =	sld [smem:$0x3FAE]  }
0x2f: {  	lr =	sadd.s32 s0, s3;
	s0 =	sld [smem:$0x3FA5]  }
0x30: {  	s3 =	sld [smem:$0x3FA8]  }
0x31: {  	[smem:$0x3FB1] =	sst s10  }
0x32: {  	s10 =	sld [smem:$0x3FAF];
	_ =	sdelay $0x3  }
0x33: {  	p0 =	seq.s32 s10, $0x1;
	s10 =	sld [smem:$0x3FB1];
	_ =	sdelay $0x3  }
0x34: {  	[smem:$0x3FB1] =	sst s10  }
0x35: {  	s10 =	sld [smem:$0x3FB0];
	_ =	sdelay $0x3  }
0x36: {  	p1 =	seq.s32 s10, $0x1;
	s10 =	sld [smem:$0x3FB1];
	_ =	sdelay $0x3  }
0x37: {  	[smem:$0x3FB1] =	sst s10  }
0x38: {  	s10 =	sld [smem:$0x3FB2]  }
0x39: {  	_ = 	snop;
	(pc) =	sbr.ind lr, $3  }
0x3a: {  	_ = 	snop  }
0x3b: {  	_ = 	snop  }
0x3c: {  	p2 =	seq.s32 s10, $0x1;
	s10 =	sld [smem:$0x3FB1]  }
0x3d: {  	_ =	shalt  }
0x3e: {  	_ =	shalt  }
0x3f: {  	_ =	shalt  }
0x40: {  	_ =	shalt  }
0x41: {  	_ =	shalt  }
0x42: {  	_ =	shalt  }
0x43: {  	_ =	shalt  }
0x44: {  	_ =	shalt  }
0x45: {  	_ =	shalt  }
0x46: {  	_ =	shalt  }
0x47: {  	_ =	shalt  }
0x48: {  	_ =	shalt  }
0x49: {  	_ =	shalt  }
0x4a: {  	_ =	shalt  }
0x4b: {  	_ =	shalt  }
0x4c: {  	_ =	shalt  }
0x4d: {  	_ =	shalt  }
0x4e: {  	_ =	shalt  }
0x4f: {  	_ =	shalt  }
0x50: {  	_ =	shalt  }
0x51: {  	_ =	shalt  }
0x52: {  	_ =	shalt  }
0x53: {  	_ =	shalt  }
0x54: {  	_ =	shalt  }
0x55: {  	_ =	shalt  }
0x56: {  	_ =	shalt  }
0x57: {  	_ =	shalt  }
0x58: {  	_ =	shalt  }
0x59: {  	_ =	shalt  }
0x5a: {  	_ =	shalt  }
0x5b: {  	_ =	shalt  }
0x5c: {  	_ =	shalt  }
0x5d: {  	_ =	shalt  }
0x5e: {  	_ =	shalt  }
0x5f: {  	_ =	shalt  }
0x60: {  	_ =	shalt  }
0x61: {  	_ =	shalt  }
0x62: {  	_ =	shalt  }
0x63: {  	_ =	shalt  }
0x64: {  	_ =	shalt  }
0x65: {  	_ =	shalt  }
0x66: {  	_ =	shalt  }
0x67: {  	_ =	shalt  }
0x68: {  	_ =	shalt  }
0x69: {  	_ =	shalt  }
0x6a: {  	_ =	shalt  }
0x6b: {  	_ =	shalt  }
0x6c: {  	_ =	shalt  }
0x6d: {  	_ =	shalt  }
0x6e: {  	_ =	shalt  }
0x6f: {  	_ =	shalt  }
0x70: {  	_ =	shalt  }
0x71: {  	_ =	shalt  }
0x72: {  	_ =	shalt  }
0x73: {  	_ =	shalt  }
0x74: {  	_ =	shalt  }
0x75: {  	_ =	shalt  }
0x76: {  	_ =	shalt  }
0x77: {  	_ =	shalt  }
0x78: {  	_ =	shalt  }
0x79: {  	_ =	shalt  }
0x7a: {  	_ =	shalt  }
0x7b: {  	_ =	shalt  }
0x7c: {  	_ =	shalt  }
0x7d: {  	_ =	shalt  }
0x7e: {  	_ =	shalt  }
0x7f: {  	_ =	shalt  }
0x80: {  	_ =	shalt  }
0x81: {  	_ =	shalt  }
0x82: {  	_ =	shalt  }
0x83: {  	_ =	shalt  }
0x84: {  	_ =	shalt  }
0x85: {  	_ =	shalt  }
0x86: {  	_ =	shalt  }
0x87: {  	_ =	shalt  }
.Lfunc_end0:
.L_simem_size_0:
called_computation.1_lowered:
.L_overlay_start_0:
0x88: {  	s2 =	sld [smem:$0x3FD9]  }
0x89: {  	s3 =	sld [smem:$0x3FFE];
	_ =	sdelay $0x1  }
0x8a: {  	s1 =	srdreg.scid  }
0x8b: {  	s0 =	sand.u32 $0x1, s1  }
0x8c: {  	s17 =	sshll.u32 s0, $0xA;
	s2 =	sadd.s32 s3, s2  }
0x8d: {  	s2 =	sadd.s32 s2, s17  }
0x8e: {  	[smem:$0x3FBD] =	sst s2  }
0x8f: {  	_ = 	snop  }
0x90: {  	s2 =	sld [smem:$0x3FD0];
	(tm) =	ssettm $0x1  }
0x91: {  	s18 =	sld [smem:$0x3FFB];
	_ =	sdelay $0x3  }
0x92: {  	_ =	strace s18  }
0x93: {  	s3 =	sld [smem:$0x3FFC];
	_ =	sdelay $0x3  }
0x94: {  	_ =	strace s3  }
0x95: {  	s3 =	sld [smem:$0x3FFD];
	_ =	sdelay $0x3  }
0x96: {  	_ =	strace s3  }
0x97: {  	_ =	strace $0x8FFFFFFF  }
0x98: {  	s19 =	sld [smem:$0x3FDB];
	_ =	sdelay $0x1  }
0x99: {  	s4 =	simm.s32 $_scs_section_size  }
0x9a: {  	s5 =	simm.s32 $_size__tile_overlayer_lowered;
	s6 =	simm.s32 $_tile_overlayer_lowered  }
0x9b: {  	s22 =	simm.s32 $0x1BFF;
	s21 =	sshll.u32 s6, $0x1;
	s3 =	sadd.s32 s4, s19  }
0x9c: {  	s7 =	simm.s32 $0x0;
	s20 =	sshll.u32 s5, $0x1;
	s5 =	sadd.s32 s21, s3  }
0x9d: {  	[timem:s7], [sflag:s22] =	dma.local [hbm:s5], s20  }
0x9e: {  	_ =	swait.ge [sflag:s22], s20  }
0x9f: {  	s4 =	ssub.s32 $0x0, s20;
	[sflag:s22] =	ssyncset.done $0x0  }
0xa0: {  	[sflag:s22] =	ssyncadd.s32 s4;
	_ =	sdelay $0x1  }
0xa1: {  	s23 =	simm.s32 $0x1B8B  }
0xa2: {  	_ =	swait.ge [sflag:s23], $0x1  }
0xa3: {  	[sflag:s23] =	ssyncset.done $0x0  }
0xa4: {  	s25 =	simm.s32 $0x1B8E;
	s24 =	sld [smem:$0x3FFE];
	[sflag:s23] =	ssyncadd.s32 $0xFFFFFFFF  }
0xa5: {  	s26 =	simm.s32 $execute0_lowered;
	[smem:$0x3FD2] =	sst s25  }
0xa6: {  	s5 =	sshll.u32 s26, $0x1;
	_ =	strace $0x80000046;
	[dreg:$0x1] =	wrdreg $0xFFFFFFFF  }
0xa7: {  	s28 =	simm.s32 $_size_execute0_lowered;
	s3 =	sadd.s32 s3, s5;
	[dreg:$0x0] =	wrdreg $0x0  }
0xa8: {  	s5 =	sshll.u32 s28, $0x1;
	[dreg:$0x2] =	wrdreg s3  }
0xa9: {  	[dreg:$0x3] =	wrdreg s5  }
0xaa: {  	[dreg:$0x4] =	wrdreg $0xC0  }
0xab: {  	_ =	task [dreg:s7], $0x5FFFF  }
0xac: {  	[dreg:$0x1] =	wrdreg $0xFFFFFFFF  }
0xad: {  	[dreg:$0x0] =	wrdreg $0x60  }
0xae: {  	[dreg:$0x2] =	wrdreg s2  }
0xaf: {  	[dreg:$0x3] =	wrdreg s24  }
0xb0: {  	[dreg:$0x4] =	wrdreg $0xA  }
0xb1: {  	_ =	task.clear_ibuf [dreg:s7], $0x5FFFF;
	_ =	strace $0x90000046  }
0xb2: {  	s29 =	simm.s32 $0xA;
	_ =	strace $0x80000048  }
0xb3: {  	_ =	swait.ge [sflag:s29], $0x1  }
0xb4: {  	[sflag:s29] =	ssyncadd.s32 $0xFFFFFFFF  }
0xb5: {  	_ =	strace $0x90000048  }
0xb6: {  	_ =	sfence  }
0xb7: {  	s30 =	sld [smem:$0x0];
	_ =	sdelay $0x2  }
0xb8: {  	s31 =	sshll.u32 s1, $0xD;
	s1 =	sshrl.u32 s1, $0x2  }
0xb9: {  	s3 =	sand.u32 $0x4000, s31;
	s1 =	sadd.s32 s1, s30  }
0xba: {  	s0 =	sor.u32 s3, s0;
	s1 =	sshll.u32 s1, $0x11  }
0xbb: {  	s0 =	sor.u32 s1, s0  }
0xbc: {  	s0 =	sadd.s32 $0x8F2B, s0  }
0xbd: {  	[sflag:s0] =	ssyncadd.remote.s32 $0x1  }
0xbe: {  	_ =	sfence.sel $0xFFFF  }
0xbf: {  	[dreg:$0x0] =	wrdreg $0xFFFFFFFF;
	(pc) =	sbr.abs _section_cstart, $3  }
0xc0: {  	[dreg:$0x1] =	wrdreg $0xFFFFFFFF  }
0xc1: {  	_ =	task.clear_ibuf [dreg:s7], $0x2FFFF;
	_ =	strace $0x9FFFFFFF  }
0xc2: {  	(tm) =	ssettm $0x7FFFFFFF  }
0xc3: {  	_ =	shalt  }
tec
execute0_lowered:
.L_overlay_start_1:
0x0: {  	(tag) =	ssettag $0x1  }
0x1: {  	s1 =	srdreg.scid;
	s0 =	stileid.u32  }
0x2: {  	s31 =	sand.u32 $0x1, s1;
	s26 =	sshll.u32 s0, $0x1  }
0x3: {  	s2 =	rddreg [dreg:$0x0];
	s11 =	sor.u32 s31, s26  }
0x4: {  	s10 =	rddreg [dreg:$0x1];
	s3 =	simm.s32 $0x0;
	s4 =	sshll.u32 s11, $0x7  }
0x5: {  	[smem:$0x7FF] =	sst s3;
	s4 =	sadd.s32 s4, s10  }
0x6: {  	s5 =	simm.s32 $0x7;
	_ =	strace $0x80000047;
	s4 =	sadd.s32 $0x2600, s4  }
0x7: {  	[tilespmem:s3], [sflag:$0x7] =	stream.linear.gather [hbm4b:s4+s3], $0x400, $0x38;
	[tilespmem:$0xC400] =	vst v63  }
0x8: {  	_ =	swait.ge [sflag:s5], $0x400  }
0x9: {  	[sflag:s5] =	ssyncset.done $0x0  }
0xa: {  	s6 =	simm.s32 $0x80;
	s7 =	simm.s32 $0x400;
	[sflag:s5] =	ssyncadd.s32 $0xFFFFFC00  }
0xb: {  	[tilespmem:s7], [sflag:$0x1] =	stream.indirect.gather [hbm4b:s2+s6], $0x80, s3, s6, $0xb8;
	[tilespmem:$0xC400] =	vst v63  }
0xc: {  	s8 =	simm.s32 $0x4400;
	s9 =	simm.s32 $0x1  }
0xd: {  	[tilespmem:s8], [sflag:$0x2] =	stream.indirect.gather [hbm4b:s2+s6], $0x80, s6, s6, $0xb8;
	[tilespmem:$0xC400] =	vst v63  }
0xe: {  	s11 =	sshll.u32 s11, $0xE;
	_ =	swait.ge [sflag:s9], $0x4000  }
0xf: {  	s30 =	sadd.s32 s11, s10;
	[sflag:s9] =	ssyncset.done $0x0  }
0x10: {  	s10 =	simm.s32 $0x100;
	s11 =	simm.s32 $0x8400;
	[sflag:s9] =	ssyncadd.s32 $0xFFFFC000  }
0x11: {  	[tilespmem:s11], [sflag:$0x3] =	stream.indirect.gather [hbm4b:s2+s6], $0x80, s10, s6, $0xb8;
	[tilespmem:$0xC400] =	vst v63  }
0x12: {  	s13 =	simm.s32 $0x2;
	s12 =	sadd.s32 $0x3600, s30  }
0x13: {  	[hbm4b:s12+s3] =	stream.linear.scatter [tilespmem:s7], [sflag:$0x4], $0x4000, $0x38;
	[tilespmem:$0xC400] =	vst v63  }
0x14: {  	_ =	swait.ge [sflag:s13], $0x4000  }
0x15: {  	[sflag:s13] =	ssyncset.done $0x0  }
0x16: {  	s14 =	simm.s32 $0x4;
	[sflag:s13] =	ssyncadd.s32 $0xFFFFC000  }
0x17: {  	_ =	swait.ge [sflag:s14], $0x4000  }
0x18: {  	[sflag:s14] =	ssyncset.done $0x0  }
0x19: {  	s15 =	simm.s32 $0x180;
	[sflag:s14] =	ssyncadd.s32 $0xFFFFC000  }
0x1a: {  	[tilespmem:s7], [sflag:$0x1] =	stream.indirect.gather [hbm4b:s2+s6], $0x80, s15, s6, $0xb8;
	[tilespmem:$0xC400] =	vst v63  }
0x1b: {  	s17 =	simm.s32 $0x3;
	s16 =	sadd.s32 $0x3E00, s30  }
0x1c: {  	[hbm4b:s16+s3] =	stream.linear.scatter [tilespmem:s8], [sflag:$0x5], $0x4000, $0x38;
	[tilespmem:$0xC400] =	vst v63  }
0x1d: {  	_ =	swait.ge [sflag:s17], $0x4000  }
0x1e: {  	[sflag:s17] =	ssyncset.done $0x0  }
0x1f: {  	s18 =	simm.s32 $0x5;
	[sflag:s17] =	ssyncadd.s32 $0xFFFFC000  }
0x20: {  	_ =	swait.ge [sflag:s18], $0x4000  }
0x21: {  	[sflag:s18] =	ssyncset.done $0x0  }
0x22: {  	s19 =	simm.s32 $0x200;
	[sflag:s18] =	ssyncadd.s32 $0xFFFFC000  }
0x23: {  	[tilespmem:s8], [sflag:$0x2] =	stream.indirect.gather [hbm4b:s2+s6], $0x80, s19, s6, $0xb8;
	[tilespmem:$0xC400] =	vst v63  }
0x24: {  	s20 =	sadd.s32 $0x4600, s30  }
0x25: {  	[hbm4b:s20+s3] =	stream.linear.scatter [tilespmem:s11], [sflag:$0x6], $0x4000, $0x38;
	[tilespmem:$0xC400] =	vst v63  }
0x26: {  	_ =	swait.ge [sflag:s9], $0x4000  }
0x27: {  	[sflag:s9] =	ssyncset.done $0x0  }
0x28: {  	s21 =	simm.s32 $0x6;
	[sflag:s9] =	ssyncadd.s32 $0xFFFFC000  }
0x29: {  	_ =	swait.ge [sflag:s21], $0x4000  }
0x2a: {  	[sflag:s21] =	ssyncset.done $0x0  }
0x2b: {  	s22 =	simm.s32 $0x280;
	[sflag:s21] =	ssyncadd.s32 $0xFFFFC000  }
0x2c: {  	[tilespmem:s11], [sflag:$0x3] =	stream.indirect.gather [hbm4b:s2+s6], $0x80, s22, s6, $0xb8;
	[tilespmem:$0xC400] =	vst v63  }
0x2d: {  	s23 =	sadd.s32 $0x4E00, s30  }
0x2e: {  	[hbm4b:s23+s3] =	stream.linear.scatter [tilespmem:s7], [sflag:$0x4], $0x4000, $0x38;
	[tilespmem:$0xC400] =	vst v63  }
0x2f: {  	_ =	swait.ge [sflag:s13], $0x4000  }
0x30: {  	[sflag:s13] =	ssyncset.done $0x0  }
0x31: {  	[sflag:s13] =	ssyncadd.s32 $0xFFFFC000  }
0x32: {  	_ =	swait.ge [sflag:s14], $0x4000  }
0x33: {  	[sflag:s14] =	ssyncset.done $0x0  }
0x34: {  	s24 =	simm.s32 $0x300;
	[sflag:s14] =	ssyncadd.s32 $0xFFFFC000  }
0x35: {  	[tilespmem:s7], [sflag:$0x1] =	stream.indirect.gather [hbm4b:s2+s6], $0x80, s24, s6, $0xb8;
	[tilespmem:$0xC400] =	vst v63  }
0x36: {  	s25 =	sadd.s32 $0x5600, s30  }
0x37: {  	[hbm4b:s25+s3] =	stream.linear.scatter [tilespmem:s8], [sflag:$0x5], $0x4000, $0x38;
	[tilespmem:$0xC400] =	vst v63  }
0x38: {  	_ =	swait.ge [sflag:s17], $0x4000  }
0x39: {  	[sflag:s17] =	ssyncset.done $0x0  }
0x3a: {  	[sflag:s17] =	ssyncadd.s32 $0xFFFFC000  }
0x3b: {  	_ =	swait.ge [sflag:s18], $0x4000  }
0x3c: {  	[sflag:s18] =	ssyncset.done $0x0  }
0x3d: {  	s26 =	simm.s32 $0x380;
	[sflag:s18] =	ssyncadd.s32 $0xFFFFC000  }
0x3e: {  	[tilespmem:s8], [sflag:$0x2] =	stream.indirect.gather [hbm4b:s2+s6], $0x80, s26, s6, $0xb8;
	[tilespmem:$0xC400] =	vst v63  }
0x3f: {  	s28 =	sadd.s32 $0x5E00, s30  }
0x40: {  	[hbm4b:s28+s3] =	stream.linear.scatter [tilespmem:s11], [sflag:$0x6], $0x4000, $0x38;
	[tilespmem:$0xC400] =	vst v63  }
0x41: {  	_ =	swait.ge [sflag:s9], $0x4000  }
0x42: {  	[sflag:s9] =	ssyncset.done $0x0  }
0x43: {  	s29 =	sadd.s32 $0x6600, s30;
	[sflag:s9] =	ssyncadd.s32 $0xFFFFC000  }
0x44: {  	[hbm4b:s29+s3] =	stream.linear.scatter [tilespmem:s7], [sflag:$0x4], $0x4000, $0x38;
	[tilespmem:$0xC400] =	vst v63  }
0x45: {  	_ =	swait.ge [sflag:s13], $0x4000  }
0x46: {  	s31 =	ssub.s32 $0x2, s31;
	[sflag:s13] =	ssyncset.done $0x0  }
0x47: {  	s1 =	sshrl.u32 s31, $0x1;
	s30 =	sadd.s32 $0x6E00, s30;
	[sflag:s13] =	ssyncadd.s32 $0xFFFFC000  }
0x48: {  	[hbm4b:s30+s3] =	stream.linear.scatter [tilespmem:s8], [sflag:$0x5], $0x4000, $0x38;
	[tilespmem:$0xC400] =	vst v63  }
0x49: {  	s1 =	ssub.s32 s31, s1;
	_ =	swait.ge [sflag:s21], $0x4000  }
0x4a: {  	s1 =	smax.u32 s1, $0x1;
	[sflag:s21] =	ssyncset.done $0x0  }
0x4b: {  	p0 =	sne.s32 s1, $0x1;
	[sflag:s21] =	ssyncadd.s32 $0xFFFFC000  }
.Ltmp0:
0x4c: {  	_ =	swait.ge [sflag:s14], $0x4000;
	(pc) =	sbr.rel @!p0 .LBB2_2-.Ltmp0, $4  }
0x4d: {  	[sflag:s14] =	ssyncset.done $0x0  }
0x4e: {  	[sflag:s14] =	ssyncadd.s32 $0xFFFFC000  }
0x4f: {  	_ =	swait.ge [sflag:s18], $0x4000  }
0x50: {  	s31 =	sadd.s32 $0xFFFFFFFF, s1;
	[sflag:s18] =	ssyncset.done $0x0  }
.LBB2_1:
0x51: {  	p0 =	sne.s32 s31, $0x1;
	s31 =	sadd.s32 $0xFFFFFFFF, s31;
	[sflag:s18] =	ssyncadd.s32 $0xFFFFC000  }
0x52: {  	[tilespmem:s3], [sflag:$0x7] =	stream.linear.gather [hbm4b:s4+s3], $0x400, $0x38;
	[tilespmem:$0xC400] =	vst v63  }
0x53: {  	_ =	swait.ge [sflag:s5], $0x400  }
0x54: {  	[sflag:s5] =	ssyncset.done $0x0  }
0x55: {  	[sflag:s5] =	ssyncadd.s32 $0xFFFFFC00  }
0x56: {  	[tilespmem:s7], [sflag:$0x1] =	stream.indirect.gather [hbm4b:s2+s6], $0x80, s3, s6, $0xb8;
	[tilespmem:$0xC400] =	vst v63  }
0x57: {  	_ = 	snop  }
0x58: {  	[tilespmem:s8], [sflag:$0x2] =	stream.indirect.gather [hbm4b:s2+s6], $0x80, s6, s6, $0xb8;
	[tilespmem:$0xC400] =	vst v63  }
0x59: {  	_ =	swait.ge [sflag:s9], $0x4000  }
0x5a: {  	[sflag:s9] =	ssyncset.done $0x0  }
0x5b: {  	[sflag:s9] =	ssyncadd.s32 $0xFFFFC000  }
0x5c: {  	[tilespmem:s11], [sflag:$0x3] =	stream.indirect.gather [hbm4b:s2+s6], $0x80, s10, s6, $0xb8;
	[tilespmem:$0xC400] =	vst v63  }
0x5d: {  	_ = 	snop  }
0x5e: {  	[hbm4b:s12+s3] =	stream.linear.scatter [tilespmem:s7], [sflag:$0x4], $0x4000, $0x38;
	[tilespmem:$0xC400] =	vst v63  }
0x5f: {  	_ =	swait.ge [sflag:s13], $0x4000  }
0x60: {  	[sflag:s13] =	ssyncset.done $0x0  }
0x61: {  	[sflag:s13] =	ssyncadd.s32 $0xFFFFC000  }
0x62: {  	_ =	swait.ge [sflag:s14], $0x4000  }
0x63: {  	[sflag:s14] =	ssyncset.done $0x0  }
0x64: {  	[sflag:s14] =	ssyncadd.s32 $0xFFFFC000  }
0x65: {  	[tilespmem:s7], [sflag:$0x1] =	stream.indirect.gather [hbm4b:s2+s6], $0x80, s15, s6, $0xb8;
	[tilespmem:$0xC400] =	vst v63  }
0x66: {  	_ = 	snop  }
0x67: {  	[hbm4b:s16+s3] =	stream.linear.scatter [tilespmem:s8], [sflag:$0x5], $0x4000, $0x38;
	[tilespmem:$0xC400] =	vst v63  }
0x68: {  	_ =	swait.ge [sflag:s17], $0x4000  }
0x69: {  	[sflag:s17] =	ssyncset.done $0x0  }
0x6a: {  	[sflag:s17] =	ssyncadd.s32 $0xFFFFC000  }
0x6b: {  	_ =	swait.ge [sflag:s18], $0x4000  }
0x6c: {  	[sflag:s18] =	ssyncset.done $0x0  }
0x6d: {  	[sflag:s18] =	ssyncadd.s32 $0xFFFFC000  }
0x6e: {  	[tilespmem:s8], [sflag:$0x2] =	stream.indirect.gather [hbm4b:s2+s6], $0x80, s19, s6, $0xb8;
	[tilespmem:$0xC400] =	vst v63  }
0x6f: {  	_ = 	snop  }
0x70: {  	[hbm4b:s20+s3] =	stream.linear.scatter [tilespmem:s11], [sflag:$0x6], $0x4000, $0x38;
	[tilespmem:$0xC400] =	vst v63  }
0x71: {  	_ =	swait.ge [sflag:s9], $0x4000  }
0x72: {  	[sflag:s9] =	ssyncset.done $0x0  }
0x73: {  	[sflag:s9] =	ssyncadd.s32 $0xFFFFC000  }
0x74: {  	_ =	swait.ge [sflag:s21], $0x4000  }
0x75: {  	[sflag:s21] =	ssyncset.done $0x0  }
0x76: {  	[sflag:s21] =	ssyncadd.s32 $0xFFFFC000  }
0x77: {  	[tilespmem:s11], [sflag:$0x3] =	stream.indirect.gather [hbm4b:s2+s6], $0x80, s22, s6, $0xb8;
	[tilespmem:$0xC400] =	vst v63  }
0x78: {  	_ = 	snop  }
0x79: {  	[hbm4b:s23+s3] =	stream.linear.scatter [tilespmem:s7], [sflag:$0x4], $0x4000, $0x38;
	[tilespmem:$0xC400] =	vst v63  }
0x7a: {  	_ =	swait.ge [sflag:s13], $0x4000  }
0x7b: {  	[sflag:s13] =	ssyncset.done $0x0  }
0x7c: {  	[sflag:s13] =	ssyncadd.s32 $0xFFFFC000  }
0x7d: {  	_ =	swait.ge [sflag:s14], $0x4000  }
0x7e: {  	[sflag:s14] =	ssyncset.done $0x0  }
0x7f: {  	[sflag:s14] =	ssyncadd.s32 $0xFFFFC000  }
0x80: {  	[tilespmem:s7], [sflag:$0x1] =	stream.indirect.gather [hbm4b:s2+s6], $0x80, s24, s6, $0xb8;
	[tilespmem:$0xC400] =	vst v63  }
0x81: {  	_ = 	snop  }
0x82: {  	[hbm4b:s25+s3] =	stream.linear.scatter [tilespmem:s8], [sflag:$0x5], $0x4000, $0x38;
	[tilespmem:$0xC400] =	vst v63  }
0x83: {  	_ =	swait.ge [sflag:s17], $0x4000  }
0x84: {  	[sflag:s17] =	ssyncset.done $0x0  }
0x85: {  	[sflag:s17] =	ssyncadd.s32 $0xFFFFC000  }
0x86: {  	_ =	swait.ge [sflag:s18], $0x4000  }
0x87: {  	[sflag:s18] =	ssyncset.done $0x0  }
0x88: {  	[sflag:s18] =	ssyncadd.s32 $0xFFFFC000  }
0x89: {  	[tilespmem:s8], [sflag:$0x2] =	stream.indirect.gather [hbm4b:s2+s6], $0x80, s26, s6, $0xb8;
	[tilespmem:$0xC400] =	vst v63  }
0x8a: {  	_ = 	snop  }
0x8b: {  	[hbm4b:s28+s3] =	stream.linear.scatter [tilespmem:s11], [sflag:$0x6], $0x4000, $0x38;
	[tilespmem:$0xC400] =	vst v63  }
0x8c: {  	_ =	swait.ge [sflag:s9], $0x4000  }
0x8d: {  	[sflag:s9] =	ssyncset.done $0x0  }
0x8e: {  	[sflag:s9] =	ssyncadd.s32 $0xFFFFC000  }
0x8f: {  	[hbm4b:s29+s3] =	stream.linear.scatter [tilespmem:s7], [sflag:$0x4], $0x4000, $0x38;
	[tilespmem:$0xC400] =	vst v63  }
0x90: {  	_ =	swait.ge [sflag:s13], $0x4000  }
0x91: {  	[sflag:s13] =	ssyncset.done $0x0  }
0x92: {  	[sflag:s13] =	ssyncadd.s32 $0xFFFFC000  }
0x93: {  	[hbm4b:s30+s3] =	stream.linear.scatter [tilespmem:s8], [sflag:$0x5], $0x4000, $0x38;
	[tilespmem:$0xC400] =	vst v63  }
0x94: {  	_ =	swait.ge [sflag:s21], $0x4000  }
0x95: {  	[sflag:s21] =	ssyncset.done $0x0  }
0x96: {  	[sflag:s21] =	ssyncadd.s32 $0xFFFFC000  }
.Ltmp1:
0x97: {  	_ =	swait.ge [sflag:s14], $0x4000;
	(pc) =	sbr.rel @p0 .LBB2_1-.Ltmp1, $4  }
0x98: {  	[sflag:s14] =	ssyncset.done $0x0  }
0x99: {  	[sflag:s14] =	ssyncadd.s32 $0xFFFFC000  }
0x9a: {  	_ =	swait.ge [sflag:s18], $0x4000  }
0x9b: {  	[sflag:s18] =	ssyncset.done $0x0  }
.LBB2_2:
0x9c: {  	[sflag:s18] =	ssyncadd.s32 $0xFFFFC000  }
0x9d: {  	_ =	sfence.sel $0x180000  }
0x9e: {  	[bflag:$0x0] =	sbarrier.arrive $0xFFFF  }
0x9f: {  	_ =	strace $0x90000047  }
0xa0: {  	[bflag:$0x2] =	sbarrier.arrive $0xFFFF  }
0xa1: {  	p0 =	sne.s32 s0, $0x0;
	s0 =	rddreg [dreg:$0x2]  }
0xa2: {  	s0 =	sadd.s32 @!p0 $0x100000, s0  }
0xa3: {  	[sflag:s0] =	ssyncadd.tile.s32 @!p0 $0x1;
	_ =	shalt  }
.Lfunc_end2:
_tile_overlayer_lowered:
.L_overlay_start_2:
0xa4: {  	(tag) =	ssettag $0x2  }
0xa5: {  	s0 =	rddreg [dreg:$0x0];
	s2 =	stileid.u32  }
0xa6: {  	s1 =	rddreg [dreg:$0x1];
	p0 =	sne.s32 s2, $0x0  }
0xa7: {  	s3 =	rddreg [dreg:$0x2];
	[bflag:$0x3] =	sbarrier.arrive $0xFFFF;
	s2 =	simm.s32 @!p0 $0x1C07  }
0xa8: {  	[timem:s3], [sflag:s2] =	dma.local @!p0 [hbm:s0], s1  }
0xa9: {  	s0 =	simm.s32 @!p0 $0x7  }
0xaa: {  	_ =	swait.ge @!p0 [sflag:s0], s1  }
0xab: {  	s1 =	ssub.s32 @!p0 $0x0, s1;
	[sflag:s0] =	ssyncset.done @!p0 $0x0  }
0xac: {  	[sflag:s0] =	ssyncadd.s32 @!p0 s1  }
0xad: {  	[bflag:$0x3] =	sbarrier.arrive $0xFFFF  }
0xae: {  	_ =	shalt  }

// kernel: kernel.9.cloned.1.call-start
scs
__scs_entry_jumppad:
0x0: {  	(pc) =	sbr.rel $0x88, $3  }
0x1: {  	(tag) =	ssettag $0x0;
	lr =	simm.s32 $0x1  }
0x2: {  	[smem:$0x3F96] =	sst lr;
	_ =	strace $0xD0000000  }
0x3: {  	_ = 	snop  }
0x4: {  	_ = 	snop  }
0x5: {  	_ = 	snop  }
0x6: {  	_ = 	snop  }
0x7: {  	_ = 	snop  }
__scs_overlays_trampoline_lowered:
0x8: {  	[smem:$0x3FA5] =	sst s0  }
0x9: {  	[smem:$0x3FA6] =	sst s1  }
0xa: {  	[smem:$0x3FA7] =	sst s2  }
0xb: {  	[smem:$0x3FA8] =	sst s3  }
0xc: {  	[smem:$0x3FA9] =	sst s4  }
0xd: {  	[smem:$0x3FAA] =	sst s5  }
0xe: {  	[smem:$0x3FAB] =	sst s6  }
0xf: {  	[smem:$0x3FAC] =	sst s7  }
0x10: {  	[smem:$0x3FAD] =	sst s8  }
0x11: {  	[smem:$0x3FAE] =	sst s9;
	s0 =	simm.s32 @!p0 $0x0  }
0x12: {  	s1 =	sld [smem:$0x3F94];
	s0 =	simm.s32 @p0 $0x1  }
0x13: {  	[smem:$0x3FAF] =	sst s0;
	s0 =	simm.s32 @!p1 $0x0  }
0x14: {  	s2 =	sld [smem:$0x3F93];
	s0 =	simm.s32 @p1 $0x1  }
0x15: {  	[smem:$0x3FB0] =	sst s0;
	s0 =	simm.s32 @!p2 $0x0  }
0x16: {  	s3 =	sld [smem:$0x3FDB];
	s0 =	simm.s32 @p2 $0x1  }
0x17: {  	s4 =	simm.s32 $0x1BF5;
	[smem:$0x3FB2] =	sst s0  }
0x18: {  	s0 =	sld [smem:$0x3F95];
	_ =	swait.ge [sflag:s4], $0x0  }
0x19: {  	s7 =	sld [smem:$0x3F96]  }
0x1a: {  	s8 =	sadd.s32 $0xFFFFE003, lr  }
0x1b: {  	s9 =	sadd.s32 $0xFFFFFEF7, lr;
	s5 =	simm.s32 $0xFFFFFFFF;
	p2 =	slt.u32 s8, $0xFFFFF086  }
0x1c: {  	p1 =	slt.u32 s9, $0xF7A;
	s5 =	simm.s32 @!p2 $0x0  }
0x1d: {  	s5 =	simm.s32 @p1 $0x1;
	p0 =	seq.s32 s7, s2  }
0x1e: {  	s7 =	smul.u32 @!p0 $0xF7A, s2;
	p2 =	seq.s32 @!p0 s5, $0x0  }
0x1f: {  	s9 =	smul.u32 $0xF7A, s1;
	s8 =	simm.s32 @!p0 $0x1BF5;
	p2 =	por !p2, p0  }
0x20: {  	[sflag:s8] =	ssyncset.s32 @!p0 $0xFFFFF086;
	s6 =	sadd.s32 @!p0 s3, s7;
	s7 =	simm.s32 @!p0 $0x108  }
0x21: {  	s3 =	sadd.s32 s3, s9;
	s6 =	sadd.s32 @!p0 $0x88, s6;
	s7 =	simm.s32 @p2 $0x1082  }
0x22: {  	[simem:s7], [sflag:s8] =	dma.local @!p0 [hbm:s6], $0xF7A  }
0x23: {  	s9 =	sor.u32 $0xD0000000, s2;
	s6 =	simm.s32 $0x108;
	_ =	swait.ge @!p0 [sflag:s8], $0x0  }
0x24: {  	s3 =	sadd.s32 $0x88, s3;
	s6 =	simm.s32 @!p1 $0x1082;
	[sflag:s4] =	ssyncset.s32 $0xFFFFF086  }
0x25: {  	[simem:s6], [sflag:s4] =	dma.local [hbm:s3], $0xF7A  }
0x26: {  	[smem:$0x3F96] =	sst s1;
	(tag) =	ssettag s2;
	_ =	strace s9  }
0x27: {  	s1 =	sld [smem:$0x3FA6]  }
0x28: {  	s2 =	sld [smem:$0x3FA7]  }
0x29: {  	s4 =	sld [smem:$0x3FA9]  }
0x2a: {  	p0 =	seq.s32 s5, $0x0;
	s5 =	sld [smem:$0x3FAA]  }
0x2b: {  	s6 =	sld [smem:$0x3FAB]  }
0x2c: {  	s7 =	sld [smem:$0x3FAC]  }
0x2d: {  	s3 =	simm.s32 $0x108;
	s8 =	sld [smem:$0x3FAD]  }
0x2e: {  	s3 =	simm.s32 @!p0 $0x1082;
	s9 =	sld [smem:$0x3FAE]  }
0x2f: {  	lr =	sadd.s32 s0, s3;
	s0 =	sld [smem:$0x3FA5]  }
0x30: {  	s3 =	sld [smem:$0x3FA8]  }
0x31: {  	[smem:$0x3FB1] =	sst s10  }
0x32: {  	s10 =	sld [smem:$0x3FAF];
	_ =	sdelay $0x3  }
0x33: {  	p0 =	seq.s32 s10, $0x1;
	s10 =	sld [smem:$0x3FB1];
	_ =	sdelay $0x3  }
0x34: {  	[smem:$0x3FB1] =	sst s10  }
0x35: {  	s10 =	sld [smem:$0x3FB0];
	_ =	sdelay $0x3  }
0x36: {  	p1 =	seq.s32 s10, $0x1;
	s10 =	sld [smem:$0x3FB1];
	_ =	sdelay $0x3  }
0x37: {  	[smem:$0x3FB1] =	sst s10  }
0x38: {  	s10 =	sld [smem:$0x3FB2]  }
0x39: {  	_ = 	snop;
	(pc) =	sbr.ind lr, $3  }
0x3a: {  	_ = 	snop  }
0x3b: {  	_ = 	snop  }
0x3c: {  	p2 =	seq.s32 s10, $0x1;
	s10 =	sld [smem:$0x3FB1]  }
0x3d: {  	_ =	shalt  }
0x3e: {  	_ =	shalt  }
0x3f: {  	_ =	shalt  }
0x40: {  	_ =	shalt  }
0x41: {  	_ =	shalt  }
0x42: {  	_ =	shalt  }
0x43: {  	_ =	shalt  }
0x44: {  	_ =	shalt  }
0x45: {  	_ =	shalt  }
0x46: {  	_ =	shalt  }
0x47: {  	_ =	shalt  }
0x48: {  	_ =	shalt  }
0x49: {  	_ =	shalt  }
0x4a: {  	_ =	shalt  }
0x4b: {  	_ =	shalt  }
0x4c: {  	_ =	shalt  }
0x4d: {  	_ =	shalt  }
0x4e: {  	_ =	shalt  }
0x4f: {  	_ =	shalt  }
0x50: {  	_ =	shalt  }
0x51: {  	_ =	shalt  }
0x52: {  	_ =	shalt  }
0x53: {  	_ =	shalt  }
0x54: {  	_ =	shalt  }
0x55: {  	_ =	shalt  }
0x56: {  	_ =	shalt  }
0x57: {  	_ =	shalt  }
0x58: {  	_ =	shalt  }
0x59: {  	_ =	shalt  }
0x5a: {  	_ =	shalt  }
0x5b: {  	_ =	shalt  }
0x5c: {  	_ =	shalt  }
0x5d: {  	_ =	shalt  }
0x5e: {  	_ =	shalt  }
0x5f: {  	_ =	shalt  }
0x60: {  	_ =	shalt  }
0x61: {  	_ =	shalt  }
0x62: {  	_ =	shalt  }
0x63: {  	_ =	shalt  }
0x64: {  	_ =	shalt  }
0x65: {  	_ =	shalt  }
0x66: {  	_ =	shalt  }
0x67: {  	_ =	shalt  }
0x68: {  	_ =	shalt  }
0x69: {  	_ =	shalt  }
0x6a: {  	_ =	shalt  }
0x6b: {  	_ =	shalt  }
0x6c: {  	_ =	shalt  }
0x6d: {  	_ =	shalt  }
0x6e: {  	_ =	shalt  }
0x6f: {  	_ =	shalt  }
0x70: {  	_ =	shalt  }
0x71: {  	_ =	shalt  }
0x72: {  	_ =	shalt  }
0x73: {  	_ =	shalt  }
0x74: {  	_ =	shalt  }
0x75: {  	_ =	shalt  }
0x76: {  	_ =	shalt  }
0x77: {  	_ =	shalt  }
0x78: {  	_ =	shalt  }
0x79: {  	_ =	shalt  }
0x7a: {  	_ =	shalt  }
0x7b: {  	_ =	shalt  }
0x7c: {  	_ =	shalt  }
0x7d: {  	_ =	shalt  }
0x7e: {  	_ =	shalt  }
0x7f: {  	_ =	shalt  }
0x80: {  	_ =	shalt  }
0x81: {  	_ =	shalt  }
0x82: {  	_ =	shalt  }
0x83: {  	_ =	shalt  }
0x84: {  	_ =	shalt  }
0x85: {  	_ =	shalt  }
0x86: {  	_ =	shalt  }
0x87: {  	_ =	shalt  }
.Lfunc_end0:
.L_simem_size_0:
called_computation_lowered:
.L_overlay_start_0:
0x88: {  	s2 =	sld [smem:$0x3FD9]  }
0x89: {  	s3 =	sld [smem:$0x3FFE];
	_ =	sdelay $0x1  }
0x8a: {  	s1 =	srdreg.scid  }
0x8b: {  	s0 =	sand.u32 $0x1, s1  }
0x8c: {  	s17 =	sshll.u32 s0, $0xA;
	s2 =	sadd.s32 s3, s2  }
0x8d: {  	s2 =	sadd.s32 s2, s17  }
0x8e: {  	[smem:$0x3FBD] =	sst s2  }
0x8f: {  	_ = 	snop  }
0x90: {  	s18 =	sld [smem:$0x3FD0];
	(tm) =	ssettm $0x1  }
0x91: {  	s19 =	sld [smem:$0x3FFB];
	_ =	sdelay $0x3  }
0x92: {  	_ =	strace s19  }
0x93: {  	s2 =	sld [smem:$0x3FFC];
	_ =	sdelay $0x3  }
0x94: {  	_ =	strace s2  }
0x95: {  	s2 =	sld [smem:$0x3FFD];
	_ =	sdelay $0x3  }
0x96: {  	_ =	strace s2  }
0x97: {  	_ =	strace $0x8FFFFFFF  }
0x98: {  	s20 =	sld [smem:$0x3FDB];
	_ =	sdelay $0x1  }
0x99: {  	s4 =	simm.s32 $_scs_section_size  }
0x9a: {  	s5 =	simm.s32 $_size__tile_overlayer_lowered;
	s6 =	simm.s32 $_tile_overlayer_lowered  }
0x9b: {  	s7 =	simm.s32 $0x1BFF;
	s21 =	sshll.u32 s6, $0x1;
	s4 =	sadd.s32 s4, s20  }
0x9c: {  	s22 =	simm.s32 $0x0;
	s5 =	sshll.u32 s5, $0x1;
	s6 =	sadd.s32 s21, s4  }
0x9d: {  	[timem:s22], [sflag:s7] =	dma.local [hbm:s6], s5  }
0x9e: {  	_ =	swait.ge [sflag:s7], s5  }
0x9f: {  	s5 =	ssub.s32 $0x0, s5;
	[sflag:s7] =	ssyncset.done $0x0  }
0xa0: {  	[sflag:s7] =	ssyncadd.s32 s5;
	_ =	sdelay $0x1  }
0xa1: {  	s23 =	simm.s32 $0x1B8B  }
0xa2: {  	_ =	swait.ge [sflag:s23], $0x1  }
0xa3: {  	[sflag:s23] =	ssyncset.done $0x0  }
0xa4: {  	[sflag:s23] =	ssyncadd.s32 $0xFFFFFFFF  }
0xa5: {  	s5 =	sld [smem:$0x0]  }
0xa6: {  	s6 =	sand.u32 $0xFFFFFFFE, s1  }
0xa7: {  	p0 =	sne.s32 s1, s6  }
0xa8: {  	s6 =	sshll.u32 @p0 s6, $0xE  }
0xa9: {  	s6 =	sadd.s32 @p0 $0x11B8D, s6;
	s7 =	sshll.u32 @p0 s5, $0x11  }
0xaa: {  	s6 =	sor.u32 @p0 s7, s6  }
0xab: {  	[sflag:s6] =	ssyncadd.remote.s32 @p0 $0x1;
	_ =	sdelay $0x1  }
0xac: {  	s6 =	simm.s32 @p0 $0x1B8D  }
0xad: {  	_ =	swait.eq @p0 [sflag:s6], $0x1  }
0xae: {  	[sflag:s6] =	ssyncadd.s32 @p0 $0xFFFFFFFF  }
0xaf: {  	s7 =	sshll.u32 @!p0 s1, $0xE  }
0xb0: {  	s7 =	sor.u32 @!p0 $0x4000, s7;
	s6 =	simm.s32 @!p0 $0x1B8D  }
0xb1: {  	s5 =	sshll.u32 @!p0 s5, $0x11;
	s7 =	sadd.s32 @!p0 $0x11B8D, s7;
	_ =	swait.eq @!p0 [sflag:s6], $0x1  }
0xb2: {  	s5 =	sor.u32 @!p0 s5, s7;
	[sflag:s6] =	ssyncadd.s32 @!p0 $0xFFFFFFFF  }
0xb3: {  	s25 =	simm.s32 $0x1B8E;
	s24 =	sld [smem:$0x3FFE];
	[sflag:s5] =	ssyncadd.remote.s32 @!p0 $0x1  }
0xb4: {  	s26 =	simm.s32 $execute0_lowered;
	[smem:$0x3FD2] =	sst s25  }
0xb5: {  	s6 =	sshll.u32 s26, $0x1;
	_ =	strace $0x80000049;
	[dreg:$0x1] =	wrdreg $0xFFFFFFFF  }
0xb6: {  	s28 =	simm.s32 $_size_execute0_lowered;
	s4 =	sadd.s32 s4, s6;
	[dreg:$0x0] =	wrdreg $0x0  }
0xb7: {  	s6 =	sshll.u32 s28, $0x1;
	[dreg:$0x2] =	wrdreg s4  }
0xb8: {  	[dreg:$0x3] =	wrdreg s6  }
0xb9: {  	[dreg:$0x4] =	wrdreg $0xC0  }
0xba: {  	_ =	task [dreg:s22], $0x5FFFF  }
0xbb: {  	[dreg:$0x1] =	wrdreg $0xFFFFFFFF  }
0xbc: {  	[dreg:$0x0] =	wrdreg $0x60  }
0xbd: {  	[dreg:$0x2] =	wrdreg s18  }
0xbe: {  	[dreg:$0x3] =	wrdreg s24  }
0xbf: {  	[dreg:$0x4] =	wrdreg $0x9  }
0xc0: {  	_ =	task.clear_ibuf [dreg:s22], $0x5FFFF;
	_ =	strace $0x90000049  }
0xc1: {  	s29 =	simm.s32 $0x9;
	_ =	strace $0x8000004B  }
0xc2: {  	_ =	swait.ge [sflag:s29], $0x1  }
0xc3: {  	[sflag:s29] =	ssyncadd.s32 $0xFFFFFFFF  }
0xc4: {  	_ =	strace $0x9000004B  }
0xc5: {  	_ =	sfence  }
0xc6: {  	s30 =	sld [smem:$0x0];
	_ =	sdelay $0x2  }
0xc7: {  	s31 =	sshll.u32 s1, $0xD;
	s1 =	sshrl.u32 s1, $0x2  }
0xc8: {  	s4 =	sand.u32 $0x4000, s31;
	s1 =	sadd.s32 s1, s30  }
0xc9: {  	s0 =	sor.u32 s4, s0;
	s1 =	sshll.u32 s1, $0x11  }
0xca: {  	s0 =	sor.u32 s1, s0  }
0xcb: {  	s0 =	sadd.s32 $0x8F2B, s0  }
0xcc: {  	[sflag:s0] =	ssyncadd.remote.s32 $0x1  }
0xcd: {  	_ =	sfence.sel $0xFFFF  }
0xce: {  	[dreg:$0x0] =	wrdreg $0xFFFFFFFF;
	(pc) =	sbr.abs _section_cstart, $3  }
0xcf: {  	[dreg:$0x1] =	wrdreg $0xFFFFFFFF  }
0xd0: {  	_ =	task.clear_ibuf [dreg:s22], $0x2FFFF;
	_ =	strace $0x9FFFFFFF  }
0xd1: {  	(tm) =	ssettm $0x7FFFFFFF  }
tec
execute0_lowered:
.L_overlay_start_1:
0x0: {  	(tag) =	ssettag $0x1  }
0x1: {  	s1 =	srdreg.scid;
	s0 =	stileid.u32  }
0x2: {  	s31 =	sand.u32 $0x1, s1;
	s26 =	sshll.u32 s0, $0x1  }
0x3: {  	s2 =	rddreg [dreg:$0x0];
	s11 =	sor.u32 s31, s26  }
0x4: {  	s10 =	rddreg [dreg:$0x1];
	s3 =	simm.s32 $0x0;
	s4 =	sshll.u32 s11, $0x7  }
0x5: {  	[smem:$0x7FF] =	sst s3;
	s4 =	sadd.s32 s4, s10  }
0x6: {  	s5 =	simm.s32 $0x7;
	_ =	strace $0x8000004A;
	s4 =	sadd.s32 $0x83600, s4  }
0x7: {  	[tilespmem:s3], [sflag:$0x7] =	stream.linear.gather [hbm4b:s4+s3], $0x400, $0x38;
	[tilespmem:$0xC400] =	vst v63  }
0x8: {  	_ =	swait.ge [sflag:s5], $0x400  }
0x9: {  	[sflag:s5] =	ssyncset.done $0x0  }
0xa: {  	s6 =	simm.s32 $0x80;
	s7 =	simm.s32 $0x400;
	[sflag:s5] =	ssyncadd.s32 $0xFFFFFC00  }
0xb: {  	[tilespmem:s7], [sflag:$0x1] =	stream.indirect.gather [hbm4b:s2+s6], $0x80, s3, s6, $0xb8;
	[tilespmem:$0xC400] =	vst v63  }
0xc: {  	s8 =	simm.s32 $0x4400;
	s9 =	simm.s32 $0x1  }
0xd: {  	[tilespmem:s8], [sflag:$0x2] =	stream.indirect.gather [hbm4b:s2+s6], $0x80, s6, s6, $0xb8;
	[tilespmem:$0xC400] =	vst v63  }
0xe: {  	s11 =	sshll.u32 s11, $0xE;
	_ =	swait.ge [sflag:s9], $0x4000  }
0xf: {  	s30 =	sadd.s32 s11, s10;
	[sflag:s9] =	ssyncset.done $0x0  }
0x10: {  	s10 =	simm.s32 $0x100;
	s11 =	simm.s32 $0x8400;
	[sflag:s9] =	ssyncadd.s32 $0xFFFFC000  }
0x11: {  	[tilespmem:s11], [sflag:$0x3] =	stream.indirect.gather [hbm4b:s2+s6], $0x80, s10, s6, $0xb8;
	[tilespmem:$0xC400] =	vst v63  }
0x12: {  	s13 =	simm.s32 $0x2;
	s12 =	sadd.s32 $0x84600, s30  }
0x13: {  	[hbm4b:s12+s3] =	stream.linear.scatter [tilespmem:s7], [sflag:$0x4], $0x4000, $0x38;
	[tilespmem:$0xC400] =	vst v63  }
0x14: {  	_ =	swait.ge [sflag:s13], $0x4000  }
0x15: {  	[sflag:s13] =	ssyncset.done $0x0  }
0x16: {  	s14 =	simm.s32 $0x4;
	[sflag:s13] =	ssyncadd.s32 $0xFFFFC000  }
0x17: {  	_ =	swait.ge [sflag:s14], $0x4000  }
0x18: {  	[sflag:s14] =	ssyncset.done $0x0  }
0x19: {  	s15 =	simm.s32 $0x180;
	[sflag:s14] =	ssyncadd.s32 $0xFFFFC000  }
0x1a: {  	[tilespmem:s7], [sflag:$0x1] =	stream.indirect.gather [hbm4b:s2+s6], $0x80, s15, s6, $0xb8;
	[tilespmem:$0xC400] =	vst v63  }
0x1b: {  	s17 =	simm.s32 $0x3;
	s16 =	sadd.s32 $0x84E00, s30  }
0x1c: {  	[hbm4b:s16+s3] =	stream.linear.scatter [tilespmem:s8], [sflag:$0x5], $0x4000, $0x38;
	[tilespmem:$0xC400] =	vst v63  }
0x1d: {  	_ =	swait.ge [sflag:s17], $0x4000  }
0x1e: {  	[sflag:s17] =	ssyncset.done $0x0  }
0x1f: {  	s18 =	simm.s32 $0x5;
	[sflag:s17] =	ssyncadd.s32 $0xFFFFC000  }
0x20: {  	_ =	swait.ge [sflag:s18], $0x4000  }
0x21: {  	[sflag:s18] =	ssyncset.done $0x0  }
0x22: {  	s19 =	simm.s32 $0x200;
	[sflag:s18] =	ssyncadd.s32 $0xFFFFC000  }
0x23: {  	[tilespmem:s8], [sflag:$0x2] =	stream.indirect.gather [hbm4b:s2+s6], $0x80, s19, s6, $0xb8;
	[tilespmem:$0xC400] =	vst v63  }
0x24: {  	s20 =	sadd.s32 $0x85600, s30  }
0x25: {  	[hbm4b:s20+s3] =	stream.linear.scatter [tilespmem:s11], [sflag:$0x6], $0x4000, $0x38;
	[tilespmem:$0xC400] =	vst v63  }
0x26: {  	_ =	swait.ge [sflag:s9], $0x4000  }
0x27: {  	[sflag:s9] =	ssyncset.done $0x0  }
0x28: {  	s21 =	simm.s32 $0x6;
	[sflag:s9] =	ssyncadd.s32 $0xFFFFC000  }
0x29: {  	_ =	swait.ge [sflag:s21], $0x4000  }
0x2a: {  	[sflag:s21] =	ssyncset.done $0x0  }
0x2b: {  	s22 =	simm.s32 $0x280;
	[sflag:s21] =	ssyncadd.s32 $0xFFFFC000  }
0x2c: {  	[tilespmem:s11], [sflag:$0x3] =	stream.indirect.gather [hbm4b:s2+s6], $0x80, s22, s6, $0xb8;
	[tilespmem:$0xC400] =	vst v63  }
0x2d: {  	s23 =	sadd.s32 $0x85E00, s30  }
0x2e: {  	[hbm4b:s23+s3] =	stream.linear.scatter [tilespmem:s7], [sflag:$0x4], $0x4000, $0x38;
	[tilespmem:$0xC400] =	vst v63  }
0x2f: {  	_ =	swait.ge [sflag:s13], $0x4000  }
0x30: {  	[sflag:s13] =	ssyncset.done $0x0  }
0x31: {  	[sflag:s13] =	ssyncadd.s32 $0xFFFFC000  }
0x32: {  	_ =	swait.ge [sflag:s14], $0x4000  }
0x33: {  	[sflag:s14] =	ssyncset.done $0x0  }
0x34: {  	s24 =	simm.s32 $0x300;
	[sflag:s14] =	ssyncadd.s32 $0xFFFFC000  }
0x35: {  	[tilespmem:s7], [sflag:$0x1] =	stream.indirect.gather [hbm4b:s2+s6], $0x80, s24, s6, $0xb8;
	[tilespmem:$0xC400] =	vst v63  }
0x36: {  	s25 =	sadd.s32 $0x86600, s30  }
0x37: {  	[hbm4b:s25+s3] =	stream.linear.scatter [tilespmem:s8], [sflag:$0x5], $0x4000, $0x38;
	[tilespmem:$0xC400] =	vst v63  }
0x38: {  	_ =	swait.ge [sflag:s17], $0x4000  }
0x39: {  	[sflag:s17] =	ssyncset.done $0x0  }
0x3a: {  	[sflag:s17] =	ssyncadd.s32 $0xFFFFC000  }
0x3b: {  	_ =	swait.ge [sflag:s18], $0x4000  }
0x3c: {  	[sflag:s18] =	ssyncset.done $0x0  }
0x3d: {  	s26 =	simm.s32 $0x380;
	[sflag:s18] =	ssyncadd.s32 $0xFFFFC000  }
0x3e: {  	[tilespmem:s8], [sflag:$0x2] =	stream.indirect.gather [hbm4b:s2+s6], $0x80, s26, s6, $0xb8;
	[tilespmem:$0xC400] =	vst v63  }
0x3f: {  	s28 =	sadd.s32 $0x86E00, s30  }
0x40: {  	[hbm4b:s28+s3] =	stream.linear.scatter [tilespmem:s11], [sflag:$0x6], $0x4000, $0x38;
	[tilespmem:$0xC400] =	vst v63  }
0x41: {  	_ =	swait.ge [sflag:s9], $0x4000  }
0x42: {  	[sflag:s9] =	ssyncset.done $0x0  }
0x43: {  	s29 =	sadd.s32 $0x87600, s30;
	[sflag:s9] =	ssyncadd.s32 $0xFFFFC000  }
0x44: {  	[hbm4b:s29+s3] =	stream.linear.scatter [tilespmem:s7], [sflag:$0x4], $0x4000, $0x38;
	[tilespmem:$0xC400] =	vst v63  }
0x45: {  	_ =	swait.ge [sflag:s13], $0x4000  }
0x46: {  	s31 =	ssub.s32 $0x2, s31;
	[sflag:s13] =	ssyncset.done $0x0  }
0x47: {  	s1 =	sshrl.u32 s31, $0x1;
	s30 =	sadd.s32 $0x87E00, s30;
	[sflag:s13] =	ssyncadd.s32 $0xFFFFC000  }
0x48: {  	[hbm4b:s30+s3] =	stream.linear.scatter [tilespmem:s8], [sflag:$0x5], $0x4000, $0x38;
	[tilespmem:$0xC400] =	vst v63  }
0x49: {  	s1 =	ssub.s32 s31, s1;
	_ =	swait.ge [sflag:s21], $0x4000  }
0x4a: {  	s1 =	smax.u32 s1, $0x1;
	[sflag:s21] =	ssyncset.done $0x0  }
0x4b: {  	p0 =	sne.s32 s1, $0x1;
	[sflag:s21] =	ssyncadd.s32 $0xFFFFC000  }
.Ltmp0:
0x4c: {  	_ =	swait.ge [sflag:s14], $0x4000;
	(pc) =	sbr.rel @!p0 .LBB2_2-.Ltmp0, $4  }
0x4d: {  	[sflag:s14] =	ssyncset.done $0x0  }
0x4e: {  	[sflag:s14] =	ssyncadd.s32 $0xFFFFC000  }
0x4f: {  	_ =	swait.ge [sflag:s18], $0x4000  }
0x50: {  	s31 =	sadd.s32 $0xFFFFFFFF, s1;
	[sflag:s18] =	ssyncset.done $0x0  }
.LBB2_1:
0x51: {  	p0 =	sne.s32 s31, $0x1;
	s31 =	sadd.s32 $0xFFFFFFFF, s31;
	[sflag:s18] =	ssyncadd.s32 $0xFFFFC000  }
0x52: {  	[tilespmem:s3], [sflag:$0x7] =	stream.linear.gather [hbm4b:s4+s3], $0x400, $0x38;
	[tilespmem:$0xC400] =	vst v63  }
0x53: {  	_ =	swait.ge [sflag:s5], $0x400  }
0x54: {  	[sflag:s5] =	ssyncset.done $0x0  }
0x55: {  	[sflag:s5] =	ssyncadd.s32 $0xFFFFFC00  }
0x56: {  	[tilespmem:s7], [sflag:$0x1] =	stream.indirect.gather [hbm4b:s2+s6], $0x80, s3, s6, $0xb8;
	[tilespmem:$0xC400] =	vst v63  }
0x57: {  	_ = 	snop  }
0x58: {  	[tilespmem:s8], [sflag:$0x2] =	stream.indirect.gather [hbm4b:s2+s6], $0x80, s6, s6, $0xb8;
	[tilespmem:$0xC400] =	vst v63  }
0x59: {  	_ =	swait.ge [sflag:s9], $0x4000  }
0x5a: {  	[sflag:s9] =	ssyncset.done $0x0  }
0x5b: {  	[sflag:s9] =	ssyncadd.s32 $0xFFFFC000  }
0x5c: {  	[tilespmem:s11], [sflag:$0x3] =	stream.indirect.gather [hbm4b:s2+s6], $0x80, s10, s6, $0xb8;
	[tilespmem:$0xC400] =	vst v63  }
0x5d: {  	_ = 	snop  }
0x5e: {  	[hbm4b:s12+s3] =	stream.linear.scatter [tilespmem:s7], [sflag:$0x4], $0x4000, $0x38;
	[tilespmem:$0xC400] =	vst v63  }
0x5f: {  	_ =	swait.ge [sflag:s13], $0x4000  }
0x60: {  	[sflag:s13] =	ssyncset.done $0x0  }
0x61: {  	[sflag:s13] =	ssyncadd.s32 $0xFFFFC000  }
0x62: {  	_ =	swait.ge [sflag:s14], $0x4000  }
0x63: {  	[sflag:s14] =	ssyncset.done $0x0  }
0x64: {  	[sflag:s14] =	ssyncadd.s32 $0xFFFFC000  }
0x65: {  	[tilespmem:s7], [sflag:$0x1] =	stream.indirect.gather [hbm4b:s2+s6], $0x80, s15, s6, $0xb8;
	[tilespmem:$0xC400] =	vst v63  }
0x66: {  	_ = 	snop  }
0x67: {  	[hbm4b:s16+s3] =	stream.linear.scatter [tilespmem:s8], [sflag:$0x5], $0x4000, $0x38;
	[tilespmem:$0xC400] =	vst v63  }
0x68: {  	_ =	swait.ge [sflag:s17], $0x4000  }
0x69: {  	[sflag:s17] =	ssyncset.done $0x0  }
0x6a: {  	[sflag:s17] =	ssyncadd.s32 $0xFFFFC000  }
0x6b: {  	_ =	swait.ge [sflag:s18], $0x4000  }
0x6c: {  	[sflag:s18] =	ssyncset.done $0x0  }
0x6d: {  	[sflag:s18] =	ssyncadd.s32 $0xFFFFC000  }
0x6e: {  	[tilespmem:s8], [sflag:$0x2] =	stream.indirect.gather [hbm4b:s2+s6], $0x80, s19, s6, $0xb8;
	[tilespmem:$0xC400] =	vst v63  }
0x6f: {  	_ = 	snop  }
0x70: {  	[hbm4b:s20+s3] =	stream.linear.scatter [tilespmem:s11], [sflag:$0x6], $0x4000, $0x38;
	[tilespmem:$0xC400] =	vst v63  }
0x71: {  	_ =	swait.ge [sflag:s9], $0x4000  }
0x72: {  	[sflag:s9] =	ssyncset.done $0x0  }
0x73: {  	[sflag:s9] =	ssyncadd.s32 $0xFFFFC000  }
0x74: {  	_ =	swait.ge [sflag:s21], $0x4000  }
0x75: {  	[sflag:s21] =	ssyncset.done $0x0  }
0x76: {  	[sflag:s21] =	ssyncadd.s32 $0xFFFFC000  }
0x77: {  	[tilespmem:s11], [sflag:$0x3] =	stream.indirect.gather [hbm4b:s2+s6], $0x80, s22, s6, $0xb8;
	[tilespmem:$0xC400] =	vst v63  }
0x78: {  	_ = 	snop  }
0x79: {  	[hbm4b:s23+s3] =	stream.linear.scatter [tilespmem:s7], [sflag:$0x4], $0x4000, $0x38;
	[tilespmem:$0xC400] =	vst v63  }
0x7a: {  	_ =	swait.ge [sflag:s13], $0x4000  }
0x7b: {  	[sflag:s13] =	ssyncset.done $0x0  }
0x7c: {  	[sflag:s13] =	ssyncadd.s32 $0xFFFFC000  }
0x7d: {  	_ =	swait.ge [sflag:s14], $0x4000  }
0x7e: {  	[sflag:s14] =	ssyncset.done $0x0  }
0x7f: {  	[sflag:s14] =	ssyncadd.s32 $0xFFFFC000  }
0x80: {  	[tilespmem:s7], [sflag:$0x1] =	stream.indirect.gather [hbm4b:s2+s6], $0x80, s24, s6, $0xb8;
	[tilespmem:$0xC400] =	vst v63  }
0x81: {  	_ = 	snop  }
0x82: {  	[hbm4b:s25+s3] =	stream.linear.scatter [tilespmem:s8], [sflag:$0x5], $0x4000, $0x38;
	[tilespmem:$0xC400] =	vst v63  }
0x83: {  	_ =	swait.ge [sflag:s17], $0x4000  }
0x84: {  	[sflag:s17] =	ssyncset.done $0x0  }
0x85: {  	[sflag:s17] =	ssyncadd.s32 $0xFFFFC000  }
0x86: {  	_ =	swait.ge [sflag:s18], $0x4000  }
0x87: {  	[sflag:s18] =	ssyncset.done $0x0  }
0x88: {  	[sflag:s18] =	ssyncadd.s32 $0xFFFFC000  }
0x89: {  	[tilespmem:s8], [sflag:$0x2] =	stream.indirect.gather [hbm4b:s2+s6], $0x80, s26, s6, $0xb8;
	[tilespmem:$0xC400] =	vst v63  }
0x8a: {  	_ = 	snop  }
0x8b: {  	[hbm4b:s28+s3] =	stream.linear.scatter [tilespmem:s11], [sflag:$0x6], $0x4000, $0x38;
	[tilespmem:$0xC400] =	vst v63  }
0x8c: {  	_ =	swait.ge [sflag:s9], $0x4000  }
0x8d: {  	[sflag:s9] =	ssyncset.done $0x0  }
0x8e: {  	[sflag:s9] =	ssyncadd.s32 $0xFFFFC000  }
0x8f: {  	[hbm4b:s29+s3] =	stream.linear.scatter [tilespmem:s7], [sflag:$0x4], $0x4000, $0x38;
	[tilespmem:$0xC400] =	vst v63  }
0x90: {  	_ =	swait.ge [sflag:s13], $0x4000  }
0x91: {  	[sflag:s13] =	ssyncset.done $0x0  }
0x92: {  	[sflag:s13] =	ssyncadd.s32 $0xFFFFC000  }
0x93: {  	[hbm4b:s30+s3] =	stream.linear.scatter [tilespmem:s8], [sflag:$0x5], $0x4000, $0x38;
	[tilespmem:$0xC400] =	vst v63  }
0x94: {  	_ =	swait.ge [sflag:s21], $0x4000  }
0x95: {  	[sflag:s21] =	ssyncset.done $0x0  }
0x96: {  	[sflag:s21] =	ssyncadd.s32 $0xFFFFC000  }
.Ltmp1:
0x97: {  	_ =	swait.ge [sflag:s14], $0x4000;
	(pc) =	sbr.rel @p0 .LBB2_1-.Ltmp1, $4  }
0x98: {  	[sflag:s14] =	ssyncset.done $0x0  }
0x99: {  	[sflag:s14] =	ssyncadd.s32 $0xFFFFC000  }
0x9a: {  	_ =	swait.ge [sflag:s18], $0x4000  }
0x9b: {  	[sflag:s18] =	ssyncset.done $0x0  }
.LBB2_2:
0x9c: {  	[sflag:s18] =	ssyncadd.s32 $0xFFFFC000  }
0x9d: {  	_ =	sfence.sel $0x180000  }
0x9e: {  	[bflag:$0x0] =	sbarrier.arrive $0xFFFF  }
0x9f: {  	_ =	strace $0x9000004A  }
0xa0: {  	[bflag:$0x2] =	sbarrier.arrive $0xFFFF  }
0xa1: {  	p0 =	sne.s32 s0, $0x0;
	s0 =	rddreg [dreg:$0x2]  }
0xa2: {  	s0 =	sadd.s32 @!p0 $0x100000, s0  }
0xa3: {  	[sflag:s0] =	ssyncadd.tile.s32 @!p0 $0x1;
	_ =	shalt  }
.Lfunc_end2:
_tile_overlayer_lowered:
.L_overlay_start_2:
0xa4: {  	(tag) =	ssettag $0x2  }
0xa5: {  	s0 =	rddreg [dreg:$0x0];
	s2 =	stileid.u32  }
0xa6: {  	s1 =	rddreg [dreg:$0x1];
	p0 =	sne.s32 s2, $0x0  }
0xa7: {  	s3 =	rddreg [dreg:$0x2];
	[bflag:$0x3] =	sbarrier.arrive $0xFFFF;
	s2 =	simm.s32 @!p0 $0x1C07  }
0xa8: {  	[timem:s3], [sflag:s2] =	dma.local @!p0 [hbm:s0], s1  }
0xa9: {  	s0 =	simm.s32 @!p0 $0x7  }
0xaa: {  	_ =	swait.ge @!p0 [sflag:s0], s1  }
0xab: {  	s1 =	ssub.s32 @!p0 $0x0, s1;
	[sflag:s0] =	ssyncset.done @!p0 $0x0  }
0xac: {  	[sflag:s0] =	ssyncadd.s32 @!p0 s1  }
0xad: {  	[bflag:$0x3] =	sbarrier.arrive $0xFFFF  }
0xae: {  	_ =	shalt  }

</sc_bundles>
